<compile_context>
chip_gen: v7x
topology: tpu7x:2x2x1
jax: 0.10.2.dev20260603
libtpu: 0.0.44.dev20260713+nightly
codegen_flags: <defaults>
</compile_context>

<pallas_src>
import functools

import jax
import jax.numpy as jnp
from jax import lax
from jax.experimental import pallas as pl
from jax.experimental.pallas import tpu as pltpu
from jax.experimental.pallas import tpu_sc as plsc

B = 4096
L = 200
EMB = 64
NW = 32
BPW = B // NW
CHUNKS = ((0, 128), (128, 72))
QV = EMB // 16
WPAD = 2 * EMB


def _body(idx_hbm, w_hbm, out_hbm, idx_v, rows_v, out_v, sem0, sem1):
    c = lax.axis_index("c")
    s = lax.axis_index("s")
    wid = s * 2 + c
    base = wid * BPW * L

    pltpu.sync_copy(idx_hbm.at[pl.ds(base, BPW * L)], idx_v)

    sems = (sem0, sem1)

    def start(b, slot):
        for (o, n) in CHUNKS:
            pltpu.async_copy(
                w_hbm.at[idx_v.at[pl.ds(b * L + o, n)]],
                rows_v.at[slot, pl.ds(o, n)],
                sems[slot],
            )

    def wait(slot):
        for (o, n) in CHUNKS:
            pltpu.make_async_copy(
                w_hbm.at[idx_v.at[pl.ds(o, n)]],
                rows_v.at[slot, pl.ds(o, n)],
                sems[slot],
            ).wait()

    start(0, 0)
    start(1, 1)

    def accum(slot, b):
        def inner(l, acc):
            return tuple(
                acc[q] + rows_v[slot, l, pl.ds(16 * q, 16)] for q in range(QV)
            )
        zero = jnp.zeros((16,), jnp.float32)
        acc = lax.fori_loop(0, L, inner, (zero,) * QV)
        scale = jnp.float32(1.0 / L)
        for q in range(QV):
            out_v[b // 2, pl.ds((b % 2) * EMB + 16 * q, 16)] = acc[q] * scale

    def outer(g, carry):
        for slot in range(2):
            b = g * 2 + slot
            wait(slot)
            accum(slot, b)
            nb = b + 2

            @pl.when(nb < BPW)
            def _():
                start(nb, slot)
        return carry

    lax.fori_loop(0, BPW // 2, outer, 0)

    pltpu.sync_copy(out_v, out_hbm.at[pl.ds(wid * (BPW // 2), BPW // 2)])


BK = 8192


def _repack_body(in_ref, out_ref):
    row = jax.lax.broadcasted_iota(jnp.int32, (EMB, EMB), 0)
    col = jax.lax.broadcasted_iota(jnp.int32, (EMB, EMB), 1)
    eye = (row == col).astype(jnp.float32)
    t = jax.lax.dot_general(
        in_ref[...], eye, (((0,), (0,)), ((), ())),
        preferred_element_type=jnp.float32)
    out_ref[...] = jnp.concatenate(
        [t, jnp.zeros((BK, WPAD - EMB), jnp.float32)], axis=1)


def _repack(wt):
    n = wt.shape[1]
    grid = (n + BK - 1) // BK
    return pl.pallas_call(
        _repack_body,
        grid=(grid,),
        in_specs=[pl.BlockSpec((EMB, BK), lambda j: (0, j))],
        out_specs=pl.BlockSpec((BK, WPAD), lambda j: (j, 0)),
        out_shape=jax.ShapeDtypeStruct((n, WPAD), jnp.float32),
    )(wt)


_mesh = plsc.VectorSubcoreMesh(core_axis_name="c", subcore_axis_name="s")

_sc_call = pl.kernel(
    _body,
    mesh=_mesh,
    out_type=jax.ShapeDtypeStruct((B // 2, WPAD), jnp.float32),
    scratch_types=[
        pltpu.VMEM((BPW * L,), jnp.int32),
        pltpu.VMEM((2, L, WPAD), jnp.float32),
        pltpu.VMEM((BPW // 2, WPAD), jnp.float32),
        pltpu.SemaphoreType.DMA,
        pltpu.SemaphoreType.DMA,
    ],
    compiler_params=pltpu.CompilerParams(use_tc_tiling_on_sc=True),
)


@jax.jit
def _run(x, w):
    w128 = _repack(w.T)
    out2 = _sc_call(x.reshape(B * L), w128)
    return out2.reshape(B, EMB)


def kernel(x, sizes, emb_weight):
    del sizes
    return _run(x, emb_weight)

# --- scband reference (transcript-rebuilt; emitter-appended) ---
"""Pipeline reference for scband-mean-bowinstruction-encoder-62130996904128 (READ-ONLY COPY).

The authoritative reference and input builder live on the scoring server;
editing this copy changes nothing except your own understanding.
"""

import jax, jax.numpy as jnp
import numpy as np

DICT_SIZE = 1000000
EMB = 64
B = 4096
L = 200


def setup_inputs(seed: int = 0) -> dict:
    key = jax.random.key(seed)
    k1, k2, k3 = jax.random.split(key, 3)
    x = jax.random.randint(k1, (B, L), 0, DICT_SIZE, dtype=jnp.int32)
    sizes = jax.random.randint(k2, (B,), 1, L, dtype=jnp.int32)
    emb_weight = jax.random.normal(k3, (DICT_SIZE, EMB), dtype=jnp.float32)
    emb_weight = emb_weight.at[0].set(0.0)  # padding_idx = 0
    return {"x": x, "sizes": sizes, "emb_weight": emb_weight}


def reference(x, sizes, emb_weight):
    # nn.Embedding with padding_idx=0: row 0 is zeros
    w = emb_weight.at[0].set(0.0)
    e = jnp.take(w, x, axis=0)            # [B, L, EMB] gather
    # dropout in eval mode -> identity
    bow = e.mean(axis=1)                  # mean over sequence dim
    return bow

if __name__ == "__main__":
    import jax
    _d = setup_inputs()
    print(jax.jit(kernel)(*tuple(_d.values())))

</pallas_src>

<mosaic_0001>
#map = affine_map<(d0, d1) -> (0)>
#map1 = affine_map<(d0, d1) -> (0, 0)>
module attributes {stable_mosaic.version = 14 : i64} {
  func.func @_body(%arg0: i32, %arg1: i32, %arg2: memref<819200xi32, #tpu.memory_space<hbm>>, %arg3: memref<1000000x128xf32, #tpu.memory_space<hbm>>, %arg4: memref<2048x128xf32, #tpu.memory_space<hbm>>, %arg5: memref<25600xi32, #tpu.memory_space<vmem>>, %arg6: memref<2x200x128xf32, #tpu.memory_space<vmem>>, %arg7: memref<64x128xf32, #tpu.memory_space<vmem>>, %arg8: memref<!tpu.dma_semaphore, #tpu.memory_space<semaphore_mem>>, %arg9: memref<!tpu.dma_semaphore, #tpu.memory_space<semaphore_mem>>) attributes {dimension_semantics = [#tpu.dimension_semantics<core_parallel>, #tpu.dimension_semantics<subcore_parallel>], iteration_bounds = array<i64: 2, 16>, scalar_prefetch = 0 : i64, scratch_operands = 5 : i64, tpu.core_type = #tpu.core_type<sc_vector_subcore>, window_params = [{transform_indices = #map}, {transform_indices = #map1}, {transform_indices = #map1}]} {
    %mul3A = arith.constant 2 : i32
    %mul3A_0 = arith.muli %arg1, %mul3A : i32
    %add3A = arith.addi %mul3A_0, %arg0 : i32
    %mul3A_1 = arith.constant 128 : i32
    %mul3A_2 = arith.muli %add3A, %mul3A_1 : i32
    %mul3A_3 = arith.constant 200 : i32
    %mul3A_4 = arith.muli %mul3A_2, %mul3A_3 : i32
    "tpu.region"() ({
      %run_scoped3A = tpu.sem_alloc : memref<!tpu.dma_semaphore, #tpu.memory_space<semaphore_mem>>
      %dma_start3A_51 = tpu.memref_slice %arg2[%mul3A_4] : memref<819200xi32, #tpu.memory_space<hbm>> -> memref<25600xi32, #tpu.memory_space<hbm>>
      %dma_start3A_52 = tpu.memref_slice %arg2[%mul3A_4] : memref<819200xi32, #tpu.memory_space<hbm>> -> memref<25600xi32, #tpu.memory_space<hbm>>
      tpu.enqueue_dma source(%dma_start3A_52 : memref<25600xi32, #tpu.memory_space<hbm>>) target(%arg5 : memref<25600xi32, #tpu.memory_space<vmem>>) target_semaphore(%run_scoped3A : memref<!tpu.dma_semaphore, #tpu.memory_space<semaphore_mem>>)
      %dma_wait3A = tpu.memref_slice %arg2[%mul3A_4] : memref<819200xi32, #tpu.memory_space<hbm>> -> memref<25600xi32, #tpu.memory_space<hbm>>
      %dma_wait3A_53 = tpu.memref_slice %arg2[%mul3A_4] : memref<819200xi32, #tpu.memory_space<hbm>> -> memref<25600xi32, #tpu.memory_space<hbm>>
      tpu.wait_dma2 semaphore(%run_scoped3A : memref<!tpu.dma_semaphore, #tpu.memory_space<semaphore_mem>>) src(%dma_wait3A_53 : memref<25600xi32, #tpu.memory_space<hbm>>) dst(%arg5 : memref<25600xi32, #tpu.memory_space<vmem>>)
      tpu.yield
    }) : () -> ()
    %dma_start3A = arith.constant 0 : i32
    %dma_start3A_5 = arith.constant 0 : i32
    %dma_start3A_6 = arith.constant 0 : i32
    %dma_start3A_7 = tpu.memref_slice %arg6[%dma_start3A, %dma_start3A_5, %dma_start3A_6] : memref<2x200x128xf32, #tpu.memory_space<vmem>> -> memref<1x128x128xf32, #tpu.memory_space<vmem>>
    %dma_start3A_8 = tpu.memref_squeeze %dma_start3A_7 : memref<1x128x128xf32, #tpu.memory_space<vmem>> -> memref<128x128xf32, #tpu.memory_space<vmem>>
    %dma_start3A_9 = arith.constant 0 : i32
    %dma_start3A_10 = tpu.memref_slice %arg5[%dma_start3A_9] : memref<25600xi32, #tpu.memory_space<vmem>> -> memref<128xi32, #tpu.memory_space<vmem>>
    %dma_start3A_11 = arith.constant 0 : i32
    %dma_start3A_12 = arith.constant 0 : i32
    %dma_start3A_13 = tpu.memref_slice %arg3[%dma_start3A_11, %dma_start3A_12] : memref<1000000x128xf32, #tpu.memory_space<hbm>> -> memref<1000000x128xf32, #tpu.memory_space<hbm>>
    tpu.enqueue_indirect_dma source(%dma_start3A_13 : memref<1000000x128xf32, #tpu.memory_space<hbm>>) target(%dma_start3A_8 : memref<128x128xf32, #tpu.memory_space<vmem>>) offsets(%dma_start3A_10 : memref<128xi32, #tpu.memory_space<vmem>>) semaphore(%arg8 : memref<!tpu.dma_semaphore, #tpu.memory_space<semaphore_mem>>)
    %dma_start3A_14 = arith.constant 0 : i32
    %dma_start3A_15 = arith.constant 128 : i32
    %dma_start3A_16 = arith.constant 0 : i32
    %dma_start3A_17 = tpu.memref_slice %arg6[%dma_start3A_14, %dma_start3A_15, %dma_start3A_16] : memref<2x200x128xf32, #tpu.memory_space<vmem>> -> memref<1x72x128xf32, #tpu.memory_space<vmem>>
    %dma_start3A_18 = tpu.memref_squeeze %dma_start3A_17 : memref<1x72x128xf32, #tpu.memory_space<vmem>> -> memref<72x128xf32, #tpu.memory_space<vmem>>
    %dma_start3A_19 = arith.constant 128 : i32
    %dma_start3A_20 = tpu.memref_slice %arg5[%dma_start3A_19] : memref<25600xi32, #tpu.memory_space<vmem>> -> memref<72xi32, #tpu.memory_space<vmem>>
    %dma_start3A_21 = arith.constant 0 : i32
    %dma_start3A_22 = arith.constant 0 : i32
    %dma_start3A_23 = tpu.memref_slice %arg3[%dma_start3A_21, %dma_start3A_22] : memref<1000000x128xf32, #tpu.memory_space<hbm>> -> memref<1000000x128xf32, #tpu.memory_space<hbm>>
    tpu.enqueue_indirect_dma source(%dma_start3A_23 : memref<1000000x128xf32, #tpu.memory_space<hbm>>) target(%dma_start3A_18 : memref<72x128xf32, #tpu.memory_space<vmem>>) offsets(%dma_start3A_20 : memref<72xi32, #tpu.memory_space<vmem>>) semaphore(%arg8 : memref<!tpu.dma_semaphore, #tpu.memory_space<semaphore_mem>>)
    %dma_start3A_24 = arith.constant 1 : i32
    %dma_start3A_25 = arith.constant 0 : i32
    %dma_start3A_26 = arith.constant 0 : i32
    %dma_start3A_27 = tpu.memref_slice %arg6[%dma_start3A_24, %dma_start3A_25, %dma_start3A_26] : memref<2x200x128xf32, #tpu.memory_space<vmem>> -> memref<1x128x128xf32, #tpu.memory_space<vmem>>
    %dma_start3A_28 = tpu.memref_squeeze %dma_start3A_27 : memref<1x128x128xf32, #tpu.memory_space<vmem>> -> memref<128x128xf32, #tpu.memory_space<vmem>>
    %dma_start3A_29 = arith.constant 200 : i32
    %dma_start3A_30 = tpu.memref_slice %arg5[%dma_start3A_29] : memref<25600xi32, #tpu.memory_space<vmem>> -> memref<128xi32, #tpu.memory_space<vmem>>
    %dma_start3A_31 = arith.constant 0 : i32
    %dma_start3A_32 = arith.constant 0 : i32
    %dma_start3A_33 = tpu.memref_slice %arg3[%dma_start3A_31, %dma_start3A_32] : memref<1000000x128xf32, #tpu.memory_space<hbm>> -> memref<1000000x128xf32, #tpu.memory_space<hbm>>
    tpu.enqueue_indirect_dma source(%dma_start3A_33 : memref<1000000x128xf32, #tpu.memory_space<hbm>>) target(%dma_start3A_28 : memref<128x128xf32, #tpu.memory_space<vmem>>) offsets(%dma_start3A_30 : memref<128xi32, #tpu.memory_space<vmem>>) semaphore(%arg9 : memref<!tpu.dma_semaphore, #tpu.memory_space<semaphore_mem>>)
    %dma_start3A_34 = arith.constant 1 : i32
    %dma_start3A_35 = arith.constant 128 : i32
    %dma_start3A_36 = arith.constant 0 : i32
    %dma_start3A_37 = tpu.memref_slice %arg6[%dma_start3A_34, %dma_start3A_35, %dma_start3A_36] : memref<2x200x128xf32, #tpu.memory_space<vmem>> -> memref<1x72x128xf32, #tpu.memory_space<vmem>>
    %dma_start3A_38 = tpu.memref_squeeze %dma_start3A_37 : memref<1x72x128xf32, #tpu.memory_space<vmem>> -> memref<72x128xf32, #tpu.memory_space<vmem>>
    %dma_start3A_39 = arith.constant 328 : i32
    %dma_start3A_40 = tpu.memref_slice %arg5[%dma_start3A_39] : memref<25600xi32, #tpu.memory_space<vmem>> -> memref<72xi32, #tpu.memory_space<vmem>>
    %dma_start3A_41 = arith.constant 0 : i32
    %dma_start3A_42 = arith.constant 0 : i32
    %dma_start3A_43 = tpu.memref_slice %arg3[%dma_start3A_41, %dma_start3A_42] : memref<1000000x128xf32, #tpu.memory_space<hbm>> -> memref<1000000x128xf32, #tpu.memory_space<hbm>>
    tpu.enqueue_indirect_dma source(%dma_start3A_43 : memref<1000000x128xf32, #tpu.memory_space<hbm>>) target(%dma_start3A_38 : memref<72x128xf32, #tpu.memory_space<vmem>>) offsets(%dma_start3A_40 : memref<72xi32, #tpu.memory_space<vmem>>) semaphore(%arg9 : memref<!tpu.dma_semaphore, #tpu.memory_space<semaphore_mem>>)
    %scan3A = arith.constant 0 : i32
    %scan3A_44 = arith.constant 0 : i32
    %scan3A_45 = arith.constant 64 : i32
    %scan3A_46 = arith.addi %scan3A_44, %scan3A_45 : i32
    %scan3A_47 = arith.constant 1 : i32
    scf.for %scan3A_51 = %scan3A_44 to %scan3A_46 step %scan3A_47  : i32 {
      %mul3A_52 = arith.constant 2 : i32
      %mul3A_53 = arith.muli %scan3A_51, %mul3A_52 : i32
      %add3A_54 = arith.constant 0 : i32
      %add3A_55 = arith.addi %mul3A_53, %add3A_54 : i32
      %dma_wait3A = arith.constant 0 : i32
      %dma_wait3A_56 = arith.constant 0 : i32
      %dma_wait3A_57 = arith.constant 0 : i32
      %dma_wait3A_58 = tpu.memref_slice %arg6[%dma_wait3A, %dma_wait3A_56, %dma_wait3A_57] : memref<2x200x128xf32, #tpu.memory_space<vmem>> -> memref<1x128x128xf32, #tpu.memory_space<vmem>>
      %dma_wait3A_59 = tpu.memref_squeeze %dma_wait3A_58 : memref<1x128x128xf32, #tpu.memory_space<vmem>> -> memref<128x128xf32, #tpu.memory_space<vmem>>
      %dma_wait3A_60 = arith.constant 0 : i32
      %dma_wait3A_61 = tpu.memref_slice %arg5[%dma_wait3A_60] : memref<25600xi32, #tpu.memory_space<vmem>> -> memref<128xi32, #tpu.memory_space<vmem>>
      %dma_wait3A_62 = arith.constant 0 : i32
      %dma_wait3A_63 = arith.constant 0 : i32
      %dma_wait3A_64 = tpu.memref_slice %arg3[%dma_wait3A_62, %dma_wait3A_63] : memref<1000000x128xf32, #tpu.memory_space<hbm>> -> memref<1000000x128xf32, #tpu.memory_space<hbm>>
      tpu.wait_indirect_dma semaphore(%arg8 : memref<!tpu.dma_semaphore, #tpu.memory_space<semaphore_mem>>) src(%dma_wait3A_64 : memref<1000000x128xf32, #tpu.memory_space<hbm>>) dst(%dma_wait3A_59 : memref<128x128xf32, #tpu.memory_space<vmem>>)
      %dma_wait3A_65 = arith.constant 0 : i32
      %dma_wait3A_66 = arith.constant 128 : i32
      %dma_wait3A_67 = arith.constant 0 : i32
      %dma_wait3A_68 = tpu.memref_slice %arg6[%dma_wait3A_65, %dma_wait3A_66, %dma_wait3A_67] : memref<2x200x128xf32, #tpu.memory_space<vmem>> -> memref<1x72x128xf32, #tpu.memory_space<vmem>>
      %dma_wait3A_69 = tpu.memref_squeeze %dma_wait3A_68 : memref<1x72x128xf32, #tpu.memory_space<vmem>> -> memref<72x128xf32, #tpu.memory_space<vmem>>
      %dma_wait3A_70 = arith.constant 128 : i32
      %dma_wait3A_71 = tpu.memref_slice %arg5[%dma_wait3A_70] : memref<25600xi32, #tpu.memory_space<vmem>> -> memref<72xi32, #tpu.memory_space<vmem>>
      %dma_wait3A_72 = arith.constant 0 : i32
      %dma_wait3A_73 = arith.constant 0 : i32
      %dma_wait3A_74 = tpu.memref_slice %arg3[%dma_wait3A_72, %dma_wait3A_73] : memref<1000000x128xf32, #tpu.memory_space<hbm>> -> memref<1000000x128xf32, #tpu.memory_space<hbm>>
      tpu.wait_indirect_dma semaphore(%arg8 : memref<!tpu.dma_semaphore, #tpu.memory_space<semaphore_mem>>) src(%dma_wait3A_74 : memref<1000000x128xf32, #tpu.memory_space<hbm>>) dst(%dma_wait3A_69 : memref<72x128xf32, #tpu.memory_space<vmem>>)
      %broadcast_in_dim3A = arith.constant 0.000000e+00 : f32
      %broadcast_in_dim3A_75 = vector.broadcast %broadcast_in_dim3A : f32 to vector<16xf32>
      %scan3A_76 = arith.constant 0 : i32
      %scan3A_77 = arith.constant 200 : i32
      %scan3A_78 = arith.addi %scan3A_76, %scan3A_77 : i32
      %scan3A_79 = arith.constant 1 : i32
      %scan3A_80:4 = scf.for %scan3A_531 = %scan3A_76 to %scan3A_78 step %scan3A_79 iter_args(%scan3A_532 = %broadcast_in_dim3A_75, %scan3A_533 = %broadcast_in_dim3A_75, %scan3A_534 = %broadcast_in_dim3A_75, %scan3A_535 = %broadcast_in_dim3A_75) -> (vector<16xf32>, vector<16xf32>, vector<16xf32>, vector<16xf32>)  : i32 {
        %get3A = arith.constant 0 : i32
        %get3A_536 = arith.index_cast %get3A : i32 to index
        %get3A_537 = arith.index_cast %scan3A_531 : i32 to index
        %get3A_538 = arith.constant 0 : index
        %get3A_539 = tpu.vector_load %arg6[%get3A_536, %get3A_537, %get3A_538] {strides = array<i32>} : memref<2x200x128xf32, #tpu.memory_space<vmem>>, vector<1x1x16xf32>,
        %get3A_540 = vector.shape_cast %get3A_539 : vector<1x1x16xf32> to vector<16xf32>
        %add3A_541 = arith.addf %scan3A_532, %get3A_540 : vector<16xf32>
        %get3A_542 = arith.constant 0 : i32
        %get3A_543 = arith.index_cast %get3A_542 : i32 to index
        %get3A_544 = arith.index_cast %scan3A_531 : i32 to index
        %get3A_545 = arith.constant 16 : index
        %get3A_546 = tpu.vector_load %arg6[%get3A_543, %get3A_544, %get3A_545] {strides = array<i32>} : memref<2x200x128xf32, #tpu.memory_space<vmem>>, vector<1x1x16xf32>,
        %get3A_547 = vector.shape_cast %get3A_546 : vector<1x1x16xf32> to vector<16xf32>
        %add3A_548 = arith.addf %scan3A_533, %get3A_547 : vector<16xf32>
        %get3A_549 = arith.constant 0 : i32
        %get3A_550 = arith.index_cast %get3A_549 : i32 to index
        %get3A_551 = arith.index_cast %scan3A_531 : i32 to index
        %get3A_552 = arith.constant 32 : index
        %get3A_553 = tpu.vector_load %arg6[%get3A_550, %get3A_551, %get3A_552] {strides = array<i32>} : memref<2x200x128xf32, #tpu.memory_space<vmem>>, vector<1x1x16xf32>,
        %get3A_554 = vector.shape_cast %get3A_553 : vector<1x1x16xf32> to vector<16xf32>
        %add3A_555 = arith.addf %scan3A_534, %get3A_554 : vector<16xf32>
        %get3A_556 = arith.constant 0 : i32
        %get3A_557 = arith.index_cast %get3A_556 : i32 to index
        %get3A_558 = arith.index_cast %scan3A_531 : i32 to index
        %get3A_559 = arith.constant 48 : index
        %get3A_560 = tpu.vector_load %arg6[%get3A_557, %get3A_558, %get3A_559] {strides = array<i32>} : memref<2x200x128xf32, #tpu.memory_space<vmem>>, vector<1x1x16xf32>,
        %get3A_561 = vector.shape_cast %get3A_560 : vector<1x1x16xf32> to vector<16xf32>
        %add3A_562 = arith.addf %scan3A_535, %get3A_561 : vector<16xf32>
        scf.yield %add3A_541, %add3A_548, %add3A_555, %add3A_562 : vector<16xf32>, vector<16xf32>, vector<16xf32>, vector<16xf32>
      }
      %scan3A_81 = arith.constant 200 : i32
      %mul3A_82 = arith.constant 5.000000e-03 : f32
      %mul3A_83 = vector.broadcast %mul3A_82 : f32 to vector<16xf32>
      %mul3A_84 = arith.mulf %scan3A_80#0, %mul3A_83 : vector<16xf32>
      %jit3A = arith.constant 2 : i32
      %div3A = arith.divsi %add3A_55, %jit3A : i32
      %sign3A = arith.constant 0 : i32
      %sign3A_85 = arith.cmpi sgt, %add3A_55, %sign3A : i32
      %sign3A_86 = arith.extui %sign3A_85 : i1 to i32
      %sign3A_87 = arith.constant 0 : i32
      %sign3A_88 = arith.cmpi slt, %add3A_55, %sign3A_87 : i32
      %sign3A_89 = arith.extui %sign3A_88 : i1 to i32
      %sign3A_90 = arith.subi %sign3A_86, %sign3A_89 : i32
      %sign3A_91 = arith.constant 0 : i32
      %sign3A_92 = arith.cmpi sgt, %jit3A, %sign3A_91 : i32
      %sign3A_93 = arith.extui %sign3A_92 : i1 to i32
      %sign3A_94 = arith.constant 0 : i32
      %sign3A_95 = arith.cmpi slt, %jit3A, %sign3A_94 : i32
      %sign3A_96 = arith.extui %sign3A_95 : i1 to i32
      %sign3A_97 = arith.subi %sign3A_93, %sign3A_96 : i32
      %ne3A = arith.cmpi ne, %sign3A_90, %sign3A_97 : i32
      %rem3A = arith.remsi %add3A_55, %jit3A : i32
      %ne3A_98 = arith.constant 0 : i32
      %ne3A_99 = arith.cmpi ne, %rem3A, %ne3A_98 : i32
      %and3A = arith.andi %ne3A, %ne3A_99 : i1
      %sub3A = arith.constant 1 : i32
      %sub3A_100 = arith.subi %div3A, %sub3A : i32
      %select_n3A = arith.select %and3A, %sub3A_100, %div3A : i32
      %jit3A_101 = arith.constant 2 : i32
      %eq3A = arith.constant 0 : i32
      %eq3A_102 = arith.cmpi eq, %jit3A_101, %eq3A : i32
      %jit3A_103 = arith.constant 1 : i32
      %select_n3A_104 = arith.select %eq3A_102, %jit3A_103, %jit3A_101 : i32
      %rem3A_105 = arith.remsi %add3A_55, %select_n3A_104 : i32
      %ne3A_106 = arith.constant 0 : i32
      %ne3A_107 = arith.cmpi ne, %rem3A_105, %ne3A_106 : i32
      %lt3A = arith.constant 0 : i32
      %lt3A_108 = arith.cmpi slt, %rem3A_105, %lt3A : i32
      %lt3A_109 = arith.constant 0 : i32
      %lt3A_110 = arith.cmpi slt, %select_n3A_104, %lt3A_109 : i32
      %ne3A_111 = arith.xori %lt3A_108, %lt3A_110 : i1
      %and3A_112 = arith.andi %ne3A_111, %ne3A_107 : i1
      %add3A_113 = arith.addi %rem3A_105, %select_n3A_104 : i32
      %select_n3A_114 = arith.select %and3A_112, %add3A_113, %rem3A_105 : i32
      %mul3A_115 = arith.constant 64 : i32
      %mul3A_116 = arith.muli %select_n3A_114, %mul3A_115 : i32
      %add3A_117 = arith.constant 0 : i32
      %add3A_118 = arith.addi %mul3A_116, %add3A_117 : i32
      %swap3A = arith.index_cast %select_n3A : i32 to index
      %swap3A_119 = arith.index_cast %add3A_118 : i32 to index
      %swap3A_120 = tpu.vector_load %arg7[%swap3A, %swap3A_119] {strides = array<i32>} : memref<64x128xf32, #tpu.memory_space<vmem>>, vector<1x16xf32>,
      %swap3A_121 = vector.shape_cast %swap3A_120 : vector<1x16xf32> to vector<16xf32>
      %swap3A_122 = vector.shape_cast %mul3A_84 : vector<16xf32> to vector<1x16xf32>
      tpu.vector_store %arg7[%swap3A, %swap3A_119], %swap3A_122 {strides = array<i32>} : memref<64x128xf32, #tpu.memory_space<vmem>>, vector<1x16xf32>,
      %mul3A_123 = arith.constant 5.000000e-03 : f32
      %mul3A_124 = vector.broadcast %mul3A_123 : f32 to vector<16xf32>
      %mul3A_125 = arith.mulf %scan3A_80#1, %mul3A_124 : vector<16xf32>
      %jit3A_126 = arith.constant 2 : i32
      %div3A_127 = arith.divsi %add3A_55, %jit3A_126 : i32
      %sign3A_128 = arith.constant 0 : i32
      %sign3A_129 = arith.cmpi sgt, %add3A_55, %sign3A_128 : i32
      %sign3A_130 = arith.extui %sign3A_129 : i1 to i32
      %sign3A_131 = arith.constant 0 : i32
      %sign3A_132 = arith.cmpi slt, %add3A_55, %sign3A_131 : i32
      %sign3A_133 = arith.extui %sign3A_132 : i1 to i32
      %sign3A_134 = arith.subi %sign3A_130, %sign3A_133 : i32
      %sign3A_135 = arith.constant 0 : i32
      %sign3A_136 = arith.cmpi sgt, %jit3A_126, %sign3A_135 : i32
      %sign3A_137 = arith.extui %sign3A_136 : i1 to i32
      %sign3A_138 = arith.constant 0 : i32
      %sign3A_139 = arith.cmpi slt, %jit3A_126, %sign3A_138 : i32
      %sign3A_140 = arith.extui %sign3A_139 : i1 to i32
      %sign3A_141 = arith.subi %sign3A_137, %sign3A_140 : i32
      %ne3A_142 = arith.cmpi ne, %sign3A_134, %sign3A_141 : i32
      %rem3A_143 = arith.remsi %add3A_55, %jit3A_126 : i32
      %ne3A_144 = arith.constant 0 : i32
      %ne3A_145 = arith.cmpi ne, %rem3A_143, %ne3A_144 : i32
      %and3A_146 = arith.andi %ne3A_142, %ne3A_145 : i1
      %sub3A_147 = arith.constant 1 : i32
      %sub3A_148 = arith.subi %div3A_127, %sub3A_147 : i32
      %select_n3A_149 = arith.select %and3A_146, %sub3A_148, %div3A_127 : i32
      %jit3A_150 = arith.constant 2 : i32
      %eq3A_151 = arith.constant 0 : i32
      %eq3A_152 = arith.cmpi eq, %jit3A_150, %eq3A_151 : i32
      %jit3A_153 = arith.constant 1 : i32
      %select_n3A_154 = arith.select %eq3A_152, %jit3A_153, %jit3A_150 : i32
      %rem3A_155 = arith.remsi %add3A_55, %select_n3A_154 : i32
      %ne3A_156 = arith.constant 0 : i32
      %ne3A_157 = arith.cmpi ne, %rem3A_155, %ne3A_156 : i32
      %lt3A_158 = arith.constant 0 : i32
      %lt3A_159 = arith.cmpi slt, %rem3A_155, %lt3A_158 : i32
      %lt3A_160 = arith.constant 0 : i32
      %lt3A_161 = arith.cmpi slt, %select_n3A_154, %lt3A_160 : i32
      %ne3A_162 = arith.xori %lt3A_159, %lt3A_161 : i1
      %and3A_163 = arith.andi %ne3A_162, %ne3A_157 : i1
      %add3A_164 = arith.addi %rem3A_155, %select_n3A_154 : i32
      %select_n3A_165 = arith.select %and3A_163, %add3A_164, %rem3A_155 : i32
      %mul3A_166 = arith.constant 64 : i32
      %mul3A_167 = arith.muli %select_n3A_165, %mul3A_166 : i32
      %add3A_168 = arith.constant 16 : i32
      %add3A_169 = arith.addi %mul3A_167, %add3A_168 : i32
      %swap3A_170 = arith.index_cast %select_n3A_149 : i32 to index
      %swap3A_171 = arith.index_cast %add3A_169 : i32 to index
      %swap3A_172 = tpu.vector_load %arg7[%swap3A_170, %swap3A_171] {strides = array<i32>} : memref<64x128xf32, #tpu.memory_space<vmem>>, vector<1x16xf32>,
      %swap3A_173 = vector.shape_cast %swap3A_172 : vector<1x16xf32> to vector<16xf32>
      %swap3A_174 = vector.shape_cast %mul3A_125 : vector<16xf32> to vector<1x16xf32>
      tpu.vector_store %arg7[%swap3A_170, %swap3A_171], %swap3A_174 {strides = array<i32>} : memref<64x128xf32, #tpu.memory_space<vmem>>, vector<1x16xf32>,
      %mul3A_175 = arith.constant 5.000000e-03 : f32
      %mul3A_176 = vector.broadcast %mul3A_175 : f32 to vector<16xf32>
      %mul3A_177 = arith.mulf %scan3A_80#2, %mul3A_176 : vector<16xf32>
      %jit3A_178 = arith.constant 2 : i32
      %div3A_179 = arith.divsi %add3A_55, %jit3A_178 : i32
      %sign3A_180 = arith.constant 0 : i32
      %sign3A_181 = arith.cmpi sgt, %add3A_55, %sign3A_180 : i32
      %sign3A_182 = arith.extui %sign3A_181 : i1 to i32
      %sign3A_183 = arith.constant 0 : i32
      %sign3A_184 = arith.cmpi slt, %add3A_55, %sign3A_183 : i32
      %sign3A_185 = arith.extui %sign3A_184 : i1 to i32
      %sign3A_186 = arith.subi %sign3A_182, %sign3A_185 : i32
      %sign3A_187 = arith.constant 0 : i32
      %sign3A_188 = arith.cmpi sgt, %jit3A_178, %sign3A_187 : i32
      %sign3A_189 = arith.extui %sign3A_188 : i1 to i32
      %sign3A_190 = arith.constant 0 : i32
      %sign3A_191 = arith.cmpi slt, %jit3A_178, %sign3A_190 : i32
      %sign3A_192 = arith.extui %sign3A_191 : i1 to i32
      %sign3A_193 = arith.subi %sign3A_189, %sign3A_192 : i32
      %ne3A_194 = arith.cmpi ne, %sign3A_186, %sign3A_193 : i32
      %rem3A_195 = arith.remsi %add3A_55, %jit3A_178 : i32
      %ne3A_196 = arith.constant 0 : i32
      %ne3A_197 = arith.cmpi ne, %rem3A_195, %ne3A_196 : i32
      %and3A_198 = arith.andi %ne3A_194, %ne3A_197 : i1
      %sub3A_199 = arith.constant 1 : i32
      %sub3A_200 = arith.subi %div3A_179, %sub3A_199 : i32
      %select_n3A_201 = arith.select %and3A_198, %sub3A_200, %div3A_179 : i32
      %jit3A_202 = arith.constant 2 : i32
      %eq3A_203 = arith.constant 0 : i32
      %eq3A_204 = arith.cmpi eq, %jit3A_202, %eq3A_203 : i32
      %jit3A_205 = arith.constant 1 : i32
      %select_n3A_206 = arith.select %eq3A_204, %jit3A_205, %jit3A_202 : i32
      %rem3A_207 = arith.remsi %add3A_55, %select_n3A_206 : i32
      %ne3A_208 = arith.constant 0 : i32
      %ne3A_209 = arith.cmpi ne, %rem3A_207, %ne3A_208 : i32
      %lt3A_210 = arith.constant 0 : i32
      %lt3A_211 = arith.cmpi slt, %rem3A_207, %lt3A_210 : i32
      %lt3A_212 = arith.constant 0 : i32
      %lt3A_213 = arith.cmpi slt, %select_n3A_206, %lt3A_212 : i32
      %ne3A_214 = arith.xori %lt3A_211, %lt3A_213 : i1
      %and3A_215 = arith.andi %ne3A_214, %ne3A_209 : i1
      %add3A_216 = arith.addi %rem3A_207, %select_n3A_206 : i32
      %select_n3A_217 = arith.select %and3A_215, %add3A_216, %rem3A_207 : i32
      %mul3A_218 = arith.constant 64 : i32
      %mul3A_219 = arith.muli %select_n3A_217, %mul3A_218 : i32
      %add3A_220 = arith.constant 32 : i32
      %add3A_221 = arith.addi %mul3A_219, %add3A_220 : i32
      %swap3A_222 = arith.index_cast %select_n3A_201 : i32 to index
      %swap3A_223 = arith.index_cast %add3A_221 : i32 to index
      %swap3A_224 = tpu.vector_load %arg7[%swap3A_222, %swap3A_223] {strides = array<i32>} : memref<64x128xf32, #tpu.memory_space<vmem>>, vector<1x16xf32>,
      %swap3A_225 = vector.shape_cast %swap3A_224 : vector<1x16xf32> to vector<16xf32>
      %swap3A_226 = vector.shape_cast %mul3A_177 : vector<16xf32> to vector<1x16xf32>
      tpu.vector_store %arg7[%swap3A_222, %swap3A_223], %swap3A_226 {strides = array<i32>} : memref<64x128xf32, #tpu.memory_space<vmem>>, vector<1x16xf32>,
      %mul3A_227 = arith.constant 5.000000e-03 : f32
      %mul3A_228 = vector.broadcast %mul3A_227 : f32 to vector<16xf32>
      %mul3A_229 = arith.mulf %scan3A_80#3, %mul3A_228 : vector<16xf32>
      %jit3A_230 = arith.constant 2 : i32
      %div3A_231 = arith.divsi %add3A_55, %jit3A_230 : i32
      %sign3A_232 = arith.constant 0 : i32
      %sign3A_233 = arith.cmpi sgt, %add3A_55, %sign3A_232 : i32
      %sign3A_234 = arith.extui %sign3A_233 : i1 to i32
      %sign3A_235 = arith.constant 0 : i32
      %sign3A_236 = arith.cmpi slt, %add3A_55, %sign3A_235 : i32
      %sign3A_237 = arith.extui %sign3A_236 : i1 to i32
      %sign3A_238 = arith.subi %sign3A_234, %sign3A_237 : i32
      %sign3A_239 = arith.constant 0 : i32
      %sign3A_240 = arith.cmpi sgt, %jit3A_230, %sign3A_239 : i32
      %sign3A_241 = arith.extui %sign3A_240 : i1 to i32
      %sign3A_242 = arith.constant 0 : i32
      %sign3A_243 = arith.cmpi slt, %jit3A_230, %sign3A_242 : i32
      %sign3A_244 = arith.extui %sign3A_243 : i1 to i32
      %sign3A_245 = arith.subi %sign3A_241, %sign3A_244 : i32
      %ne3A_246 = arith.cmpi ne, %sign3A_238, %sign3A_245 : i32
      %rem3A_247 = arith.remsi %add3A_55, %jit3A_230 : i32
      %ne3A_248 = arith.constant 0 : i32
      %ne3A_249 = arith.cmpi ne, %rem3A_247, %ne3A_248 : i32
      %and3A_250 = arith.andi %ne3A_246, %ne3A_249 : i1
      %sub3A_251 = arith.constant 1 : i32
      %sub3A_252 = arith.subi %div3A_231, %sub3A_251 : i32
      %select_n3A_253 = arith.select %and3A_250, %sub3A_252, %div3A_231 : i32
      %jit3A_254 = arith.constant 2 : i32
      %eq3A_255 = arith.constant 0 : i32
      %eq3A_256 = arith.cmpi eq, %jit3A_254, %eq3A_255 : i32
      %jit3A_257 = arith.constant 1 : i32
      %select_n3A_258 = arith.select %eq3A_256, %jit3A_257, %jit3A_254 : i32
      %rem3A_259 = arith.remsi %add3A_55, %select_n3A_258 : i32
      %ne3A_260 = arith.constant 0 : i32
      %ne3A_261 = arith.cmpi ne, %rem3A_259, %ne3A_260 : i32
      %lt3A_262 = arith.constant 0 : i32
      %lt3A_263 = arith.cmpi slt, %rem3A_259, %lt3A_262 : i32
      %lt3A_264 = arith.constant 0 : i32
      %lt3A_265 = arith.cmpi slt, %select_n3A_258, %lt3A_264 : i32
      %ne3A_266 = arith.xori %lt3A_263, %lt3A_265 : i1
      %and3A_267 = arith.andi %ne3A_266, %ne3A_261 : i1
      %add3A_268 = arith.addi %rem3A_259, %select_n3A_258 : i32
      %select_n3A_269 = arith.select %and3A_267, %add3A_268, %rem3A_259 : i32
      %mul3A_270 = arith.constant 64 : i32
      %mul3A_271 = arith.muli %select_n3A_269, %mul3A_270 : i32
      %add3A_272 = arith.constant 48 : i32
      %add3A_273 = arith.addi %mul3A_271, %add3A_272 : i32
      %swap3A_274 = arith.index_cast %select_n3A_253 : i32 to index
      %swap3A_275 = arith.index_cast %add3A_273 : i32 to index
      %swap3A_276 = tpu.vector_load %arg7[%swap3A_274, %swap3A_275] {strides = array<i32>} : memref<64x128xf32, #tpu.memory_space<vmem>>, vector<1x16xf32>,
      %swap3A_277 = vector.shape_cast %swap3A_276 : vector<1x16xf32> to vector<16xf32>
      %swap3A_278 = vector.shape_cast %mul3A_229 : vector<16xf32> to vector<1x16xf32>
      tpu.vector_store %arg7[%swap3A_274, %swap3A_275], %swap3A_278 {strides = array<i32>} : memref<64x128xf32, #tpu.memory_space<vmem>>, vector<1x16xf32>,
      %add3A_279 = arith.constant 2 : i32
      %add3A_280 = arith.addi %add3A_55, %add3A_279 : i32
      %lt3A_281 = arith.constant 128 : i32
      %lt3A_282 = arith.cmpi slt, %add3A_280, %lt3A_281 : i32
      %convert_element_type3A = arith.extui %lt3A_282 : i1 to i32
      %cond3A = arith.constant 0 : i32
      %cond3A_283 = arith.cmpi ne, %convert_element_type3A, %cond3A : i32
      scf.if %cond3A_283 {
        %mul3A_531 = arith.constant 200 : i32
        %mul3A_532 = arith.muli %add3A_280, %mul3A_531 : i32
        %add3A_533 = arith.constant 0 : i32
        %add3A_534 = arith.addi %mul3A_532, %add3A_533 : i32
        %dma_start3A_535 = arith.constant 0 : i32
        %dma_start3A_536 = arith.constant 0 : i32
        %dma_start3A_537 = arith.constant 0 : i32
        %dma_start3A_538 = tpu.memref_slice %arg6[%dma_start3A_535, %dma_start3A_536, %dma_start3A_537] : memref<2x200x128xf32, #tpu.memory_space<vmem>> -> memref<1x128x128xf32, #tpu.memory_space<vmem>>
        %dma_start3A_539 = tpu.memref_squeeze %dma_start3A_538 : memref<1x128x128xf32, #tpu.memory_space<vmem>> -> memref<128x128xf32, #tpu.memory_space<vmem>>
        %dma_start3A_540 = tpu.memref_slice %arg5[%add3A_534] : memref<25600xi32, #tpu.memory_space<vmem>> -> memref<128xi32, #tpu.memory_space<vmem>>
        %dma_start3A_541 = arith.constant 0 : i32
        %dma_start3A_542 = arith.constant 0 : i32
        %dma_start3A_543 = tpu.memref_slice %arg3[%dma_start3A_541, %dma_start3A_542] : memref<1000000x128xf32, #tpu.memory_space<hbm>> -> memref<1000000x128xf32, #tpu.memory_space<hbm>>
        tpu.enqueue_indirect_dma source(%dma_start3A_543 : memref<1000000x128xf32, #tpu.memory_space<hbm>>) target(%dma_start3A_539 : memref<128x128xf32, #tpu.memory_space<vmem>>) offsets(%dma_start3A_540 : memref<128xi32, #tpu.memory_space<vmem>>) semaphore(%arg8 : memref<!tpu.dma_semaphore, #tpu.memory_space<semaphore_mem>>)
        %mul3A_544 = arith.constant 200 : i32
        %mul3A_545 = arith.muli %add3A_280, %mul3A_544 : i32
        %add3A_546 = arith.constant 128 : i32
        %add3A_547 = arith.addi %mul3A_545, %add3A_546 : i32
        %dma_start3A_548 = arith.constant 0 : i32
        %dma_start3A_549 = arith.constant 128 : i32
        %dma_start3A_550 = arith.constant 0 : i32
        %dma_start3A_551 = tpu.memref_slice %arg6[%dma_start3A_548, %dma_start3A_549, %dma_start3A_550] : memref<2x200x128xf32, #tpu.memory_space<vmem>> -> memref<1x72x128xf32, #tpu.memory_space<vmem>>
        %dma_start3A_552 = tpu.memref_squeeze %dma_start3A_551 : memref<1x72x128xf32, #tpu.memory_space<vmem>> -> memref<72x128xf32, #tpu.memory_space<vmem>>
        %dma_start3A_553 = tpu.memref_slice %arg5[%add3A_547] : memref<25600xi32, #tpu.memory_space<vmem>> -> memref<72xi32, #tpu.memory_space<vmem>>
        %dma_start3A_554 = arith.constant 0 : i32
        %dma_start3A_555 = arith.constant 0 : i32
        %dma_start3A_556 = tpu.memref_slice %arg3[%dma_start3A_554, %dma_start3A_555] : memref<1000000x128xf32, #tpu.memory_space<hbm>> -> memref<1000000x128xf32, #tpu.memory_space<hbm>>
        tpu.enqueue_indirect_dma source(%dma_start3A_556 : memref<1000000x128xf32, #tpu.memory_space<hbm>>) target(%dma_start3A_552 : memref<72x128xf32, #tpu.memory_space<vmem>>) offsets(%dma_start3A_553 : memref<72xi32, #tpu.memory_space<vmem>>) semaphore(%arg8 : memref<!tpu.dma_semaphore, #tpu.memory_space<semaphore_mem>>)
      } else {
      }
      %mul3A_284 = arith.constant 2 : i32
      %mul3A_285 = arith.muli %scan3A_51, %mul3A_284 : i32
      %add3A_286 = arith.constant 1 : i32
      %add3A_287 = arith.addi %mul3A_285, %add3A_286 : i32
      %dma_wait3A_288 = arith.constant 1 : i32
      %dma_wait3A_289 = arith.constant 0 : i32
      %dma_wait3A_290 = arith.constant 0 : i32
      %dma_wait3A_291 = tpu.memref_slice %arg6[%dma_wait3A_288, %dma_wait3A_289, %dma_wait3A_290] : memref<2x200x128xf32, #tpu.memory_space<vmem>> -> memref<1x128x128xf32, #tpu.memory_space<vmem>>
      %dma_wait3A_292 = tpu.memref_squeeze %dma_wait3A_291 : memref<1x128x128xf32, #tpu.memory_space<vmem>> -> memref<128x128xf32, #tpu.memory_space<vmem>>
      %dma_wait3A_293 = arith.constant 0 : i32
      %dma_wait3A_294 = tpu.memref_slice %arg5[%dma_wait3A_293] : memref<25600xi32, #tpu.memory_space<vmem>> -> memref<128xi32, #tpu.memory_space<vmem>>
      %dma_wait3A_295 = arith.constant 0 : i32
      %dma_wait3A_296 = arith.constant 0 : i32
      %dma_wait3A_297 = tpu.memref_slice %arg3[%dma_wait3A_295, %dma_wait3A_296] : memref<1000000x128xf32, #tpu.memory_space<hbm>> -> memref<1000000x128xf32, #tpu.memory_space<hbm>>
      tpu.wait_indirect_dma semaphore(%arg9 : memref<!tpu.dma_semaphore, #tpu.memory_space<semaphore_mem>>) src(%dma_wait3A_297 : memref<1000000x128xf32, #tpu.memory_space<hbm>>) dst(%dma_wait3A_292 : memref<128x128xf32, #tpu.memory_space<vmem>>)
      %dma_wait3A_298 = arith.constant 1 : i32
      %dma_wait3A_299 = arith.constant 128 : i32
      %dma_wait3A_300 = arith.constant 0 : i32
      %dma_wait3A_301 = tpu.memref_slice %arg6[%dma_wait3A_298, %dma_wait3A_299, %dma_wait3A_300] : memref<2x200x128xf32, #tpu.memory_space<vmem>> -> memref<1x72x128xf32, #tpu.memory_space<vmem>>
      %dma_wait3A_302 = tpu.memref_squeeze %dma_wait3A_301 : memref<1x72x128xf32, #tpu.memory_space<vmem>> -> memref<72x128xf32, #tpu.memory_space<vmem>>
      %dma_wait3A_303 = arith.constant 128 : i32
      %dma_wait3A_304 = tpu.memref_slice %arg5[%dma_wait3A_303] : memref<25600xi32, #tpu.memory_space<vmem>> -> memref<72xi32, #tpu.memory_space<vmem>>
      %dma_wait3A_305 = arith.constant 0 : i32
      %dma_wait3A_306 = arith.constant 0 : i32
      %dma_wait3A_307 = tpu.memref_slice %arg3[%dma_wait3A_305, %dma_wait3A_306] : memref<1000000x128xf32, #tpu.memory_space<hbm>> -> memref<1000000x128xf32, #tpu.memory_space<hbm>>
      tpu.wait_indirect_dma semaphore(%arg9 : memref<!tpu.dma_semaphore, #tpu.memory_space<semaphore_mem>>) src(%dma_wait3A_307 : memref<1000000x128xf32, #tpu.memory_space<hbm>>) dst(%dma_wait3A_302 : memref<72x128xf32, #tpu.memory_space<vmem>>)
      %broadcast_in_dim3A_308 = arith.constant 0.000000e+00 : f32
      %broadcast_in_dim3A_309 = vector.broadcast %broadcast_in_dim3A_308 : f32 to vector<16xf32>
      %scan3A_310 = arith.constant 0 : i32
      %scan3A_311 = arith.constant 200 : i32
      %scan3A_312 = arith.addi %scan3A_310, %scan3A_311 : i32
      %scan3A_313 = arith.constant 1 : i32
      %scan3A_314:4 = scf.for %scan3A_531 = %scan3A_310 to %scan3A_312 step %scan3A_313 iter_args(%scan3A_532 = %broadcast_in_dim3A_309, %scan3A_533 = %broadcast_in_dim3A_309, %scan3A_534 = %broadcast_in_dim3A_309, %scan3A_535 = %broadcast_in_dim3A_309) -> (vector<16xf32>, vector<16xf32>, vector<16xf32>, vector<16xf32>)  : i32 {
        %get3A = arith.constant 1 : i32
        %get3A_536 = arith.index_cast %get3A : i32 to index
        %get3A_537 = arith.index_cast %scan3A_531 : i32 to index
        %get3A_538 = arith.constant 0 : index
        %get3A_539 = tpu.vector_load %arg6[%get3A_536, %get3A_537, %get3A_538] {strides = array<i32>} : memref<2x200x128xf32, #tpu.memory_space<vmem>>, vector<1x1x16xf32>,
        %get3A_540 = vector.shape_cast %get3A_539 : vector<1x1x16xf32> to vector<16xf32>
        %add3A_541 = arith.addf %scan3A_532, %get3A_540 : vector<16xf32>
        %get3A_542 = arith.constant 1 : i32
        %get3A_543 = arith.index_cast %get3A_542 : i32 to index
        %get3A_544 = arith.index_cast %scan3A_531 : i32 to index
        %get3A_545 = arith.constant 16 : index
        %get3A_546 = tpu.vector_load %arg6[%get3A_543, %get3A_544, %get3A_545] {strides = array<i32>} : memref<2x200x128xf32, #tpu.memory_space<vmem>>, vector<1x1x16xf32>,
        %get3A_547 = vector.shape_cast %get3A_546 : vector<1x1x16xf32> to vector<16xf32>
        %add3A_548 = arith.addf %scan3A_533, %get3A_547 : vector<16xf32>
        %get3A_549 = arith.constant 1 : i32
        %get3A_550 = arith.index_cast %get3A_549 : i32 to index
        %get3A_551 = arith.index_cast %scan3A_531 : i32 to index
        %get3A_552 = arith.constant 32 : index
        %get3A_553 = tpu.vector_load %arg6[%get3A_550, %get3A_551, %get3A_552] {strides = array<i32>} : memref<2x200x128xf32, #tpu.memory_space<vmem>>, vector<1x1x16xf32>,
        %get3A_554 = vector.shape_cast %get3A_553 : vector<1x1x16xf32> to vector<16xf32>
        %add3A_555 = arith.addf %scan3A_534, %get3A_554 : vector<16xf32>
        %get3A_556 = arith.constant 1 : i32
        %get3A_557 = arith.index_cast %get3A_556 : i32 to index
        %get3A_558 = arith.index_cast %scan3A_531 : i32 to index
        %get3A_559 = arith.constant 48 : index
        %get3A_560 = tpu.vector_load %arg6[%get3A_557, %get3A_558, %get3A_559] {strides = array<i32>} : memref<2x200x128xf32, #tpu.memory_space<vmem>>, vector<1x1x16xf32>,
        %get3A_561 = vector.shape_cast %get3A_560 : vector<1x1x16xf32> to vector<16xf32>
        %add3A_562 = arith.addf %scan3A_535, %get3A_561 : vector<16xf32>
        scf.yield %add3A_541, %add3A_548, %add3A_555, %add3A_562 : vector<16xf32>, vector<16xf32>, vector<16xf32>, vector<16xf32>
      }
      %scan3A_315 = arith.constant 200 : i32
      %mul3A_316 = arith.constant 5.000000e-03 : f32
      %mul3A_317 = vector.broadcast %mul3A_316 : f32 to vector<16xf32>
      %mul3A_318 = arith.mulf %scan3A_314#0, %mul3A_317 : vector<16xf32>
      %jit3A_319 = arith.constant 2 : i32
      %div3A_320 = arith.divsi %add3A_287, %jit3A_319 : i32
      %sign3A_321 = arith.constant 0 : i32
      %sign3A_322 = arith.cmpi sgt, %add3A_287, %sign3A_321 : i32
      %sign3A_323 = arith.extui %sign3A_322 : i1 to i32
      %sign3A_324 = arith.constant 0 : i32
      %sign3A_325 = arith.cmpi slt, %add3A_287, %sign3A_324 : i32
      %sign3A_326 = arith.extui %sign3A_325 : i1 to i32
      %sign3A_327 = arith.subi %sign3A_323, %sign3A_326 : i32
      %sign3A_328 = arith.constant 0 : i32
      %sign3A_329 = arith.cmpi sgt, %jit3A_319, %sign3A_328 : i32
      %sign3A_330 = arith.extui %sign3A_329 : i1 to i32
      %sign3A_331 = arith.constant 0 : i32
      %sign3A_332 = arith.cmpi slt, %jit3A_319, %sign3A_331 : i32
      %sign3A_333 = arith.extui %sign3A_332 : i1 to i32
      %sign3A_334 = arith.subi %sign3A_330, %sign3A_333 : i32
      %ne3A_335 = arith.cmpi ne, %sign3A_327, %sign3A_334 : i32
      %rem3A_336 = arith.remsi %add3A_287, %jit3A_319 : i32
      %ne3A_337 = arith.constant 0 : i32
      %ne3A_338 = arith.cmpi ne, %rem3A_336, %ne3A_337 : i32
      %and3A_339 = arith.andi %ne3A_335, %ne3A_338 : i1
      %sub3A_340 = arith.constant 1 : i32
      %sub3A_341 = arith.subi %div3A_320, %sub3A_340 : i32
      %select_n3A_342 = arith.select %and3A_339, %sub3A_341, %div3A_320 : i32
      %jit3A_343 = arith.constant 2 : i32
      %eq3A_344 = arith.constant 0 : i32
      %eq3A_345 = arith.cmpi eq, %jit3A_343, %eq3A_344 : i32
      %jit3A_346 = arith.constant 1 : i32
      %select_n3A_347 = arith.select %eq3A_345, %jit3A_346, %jit3A_343 : i32
      %rem3A_348 = arith.remsi %add3A_287, %select_n3A_347 : i32
      %ne3A_349 = arith.constant 0 : i32
      %ne3A_350 = arith.cmpi ne, %rem3A_348, %ne3A_349 : i32
      %lt3A_351 = arith.constant 0 : i32
      %lt3A_352 = arith.cmpi slt, %rem3A_348, %lt3A_351 : i32
      %lt3A_353 = arith.constant 0 : i32
      %lt3A_354 = arith.cmpi slt, %select_n3A_347, %lt3A_353 : i32
      %ne3A_355 = arith.xori %lt3A_352, %lt3A_354 : i1
      %and3A_356 = arith.andi %ne3A_355, %ne3A_350 : i1
      %add3A_357 = arith.addi %rem3A_348, %select_n3A_347 : i32
      %select_n3A_358 = arith.select %and3A_356, %add3A_357, %rem3A_348 : i32
      %mul3A_359 = arith.constant 64 : i32
      %mul3A_360 = arith.muli %select_n3A_358, %mul3A_359 : i32
      %add3A_361 = arith.constant 0 : i32
      %add3A_362 = arith.addi %mul3A_360, %add3A_361 : i32
      %swap3A_363 = arith.index_cast %select_n3A_342 : i32 to index
      %swap3A_364 = arith.index_cast %add3A_362 : i32 to index
      %swap3A_365 = tpu.vector_load %arg7[%swap3A_363, %swap3A_364] {strides = array<i32>} : memref<64x128xf32, #tpu.memory_space<vmem>>, vector<1x16xf32>,
      %swap3A_366 = vector.shape_cast %swap3A_365 : vector<1x16xf32> to vector<16xf32>
      %swap3A_367 = vector.shape_cast %mul3A_318 : vector<16xf32> to vector<1x16xf32>
      tpu.vector_store %arg7[%swap3A_363, %swap3A_364], %swap3A_367 {strides = array<i32>} : memref<64x128xf32, #tpu.memory_space<vmem>>, vector<1x16xf32>,
      %mul3A_368 = arith.constant 5.000000e-03 : f32
      %mul3A_369 = vector.broadcast %mul3A_368 : f32 to vector<16xf32>
      %mul3A_370 = arith.mulf %scan3A_314#1, %mul3A_369 : vector<16xf32>
      %jit3A_371 = arith.constant 2 : i32
      %div3A_372 = arith.divsi %add3A_287, %jit3A_371 : i32
      %sign3A_373 = arith.constant 0 : i32
      %sign3A_374 = arith.cmpi sgt, %add3A_287, %sign3A_373 : i32
      %sign3A_375 = arith.extui %sign3A_374 : i1 to i32
      %sign3A_376 = arith.constant 0 : i32
      %sign3A_377 = arith.cmpi slt, %add3A_287, %sign3A_376 : i32
      %sign3A_378 = arith.extui %sign3A_377 : i1 to i32
      %sign3A_379 = arith.subi %sign3A_375, %sign3A_378 : i32
      %sign3A_380 = arith.constant 0 : i32
      %sign3A_381 = arith.cmpi sgt, %jit3A_371, %sign3A_380 : i32
      %sign3A_382 = arith.extui %sign3A_381 : i1 to i32
      %sign3A_383 = arith.constant 0 : i32
      %sign3A_384 = arith.cmpi slt, %jit3A_371, %sign3A_383 : i32
      %sign3A_385 = arith.extui %sign3A_384 : i1 to i32
      %sign3A_386 = arith.subi %sign3A_382, %sign3A_385 : i32
      %ne3A_387 = arith.cmpi ne, %sign3A_379, %sign3A_386 : i32
      %rem3A_388 = arith.remsi %add3A_287, %jit3A_371 : i32
      %ne3A_389 = arith.constant 0 : i32
      %ne3A_390 = arith.cmpi ne, %rem3A_388, %ne3A_389 : i32
      %and3A_391 = arith.andi %ne3A_387, %ne3A_390 : i1
      %sub3A_392 = arith.constant 1 : i32
      %sub3A_393 = arith.subi %div3A_372, %sub3A_392 : i32
      %select_n3A_394 = arith.select %and3A_391, %sub3A_393, %div3A_372 : i32
      %jit3A_395 = arith.constant 2 : i32
      %eq3A_396 = arith.constant 0 : i32
      %eq3A_397 = arith.cmpi eq, %jit3A_395, %eq3A_396 : i32
      %jit3A_398 = arith.constant 1 : i32
      %select_n3A_399 = arith.select %eq3A_397, %jit3A_398, %jit3A_395 : i32
      %rem3A_400 = arith.remsi %add3A_287, %select_n3A_399 : i32
      %ne3A_401 = arith.constant 0 : i32
      %ne3A_402 = arith.cmpi ne, %rem3A_400, %ne3A_401 : i32
      %lt3A_403 = arith.constant 0 : i32
      %lt3A_404 = arith.cmpi slt, %rem3A_400, %lt3A_403 : i32
      %lt3A_405 = arith.constant 0 : i32
      %lt3A_406 = arith.cmpi slt, %select_n3A_399, %lt3A_405 : i32
      %ne3A_407 = arith.xori %lt3A_404, %lt3A_406 : i1
      %and3A_408 = arith.andi %ne3A_407, %ne3A_402 : i1
      %add3A_409 = arith.addi %rem3A_400, %select_n3A_399 : i32
      %select_n3A_410 = arith.select %and3A_408, %add3A_409, %rem3A_400 : i32
      %mul3A_411 = arith.constant 64 : i32
      %mul3A_412 = arith.muli %select_n3A_410, %mul3A_411 : i32
      %add3A_413 = arith.constant 16 : i32
      %add3A_414 = arith.addi %mul3A_412, %add3A_413 : i32
      %swap3A_415 = arith.index_cast %select_n3A_394 : i32 to index
      %swap3A_416 = arith.index_cast %add3A_414 : i32 to index
      %swap3A_417 = tpu.vector_load %arg7[%swap3A_415, %swap3A_416] {strides = array<i32>} : memref<64x128xf32, #tpu.memory_space<vmem>>, vector<1x16xf32>,
      %swap3A_418 = vector.shape_cast %swap3A_417 : vector<1x16xf32> to vector<16xf32>
      %swap3A_419 = vector.shape_cast %mul3A_370 : vector<16xf32> to vector<1x16xf32>
      tpu.vector_store %arg7[%swap3A_415, %swap3A_416], %swap3A_419 {strides = array<i32>} : memref<64x128xf32, #tpu.memory_space<vmem>>, vector<1x16xf32>,
      %mul3A_420 = arith.constant 5.000000e-03 : f32
      %mul3A_421 = vector.broadcast %mul3A_420 : f32 to vector<16xf32>
      %mul3A_422 = arith.mulf %scan3A_314#2, %mul3A_421 : vector<16xf32>
      %jit3A_423 = arith.constant 2 : i32
      %div3A_424 = arith.divsi %add3A_287, %jit3A_423 : i32
      %sign3A_425 = arith.constant 0 : i32
      %sign3A_426 = arith.cmpi sgt, %add3A_287, %sign3A_425 : i32
      %sign3A_427 = arith.extui %sign3A_426 : i1 to i32
      %sign3A_428 = arith.constant 0 : i32
      %sign3A_429 = arith.cmpi slt, %add3A_287, %sign3A_428 : i32
      %sign3A_430 = arith.extui %sign3A_429 : i1 to i32
      %sign3A_431 = arith.subi %sign3A_427, %sign3A_430 : i32
      %sign3A_432 = arith.constant 0 : i32
      %sign3A_433 = arith.cmpi sgt, %jit3A_423, %sign3A_432 : i32
      %sign3A_434 = arith.extui %sign3A_433 : i1 to i32
      %sign3A_435 = arith.constant 0 : i32
      %sign3A_436 = arith.cmpi slt, %jit3A_423, %sign3A_435 : i32
      %sign3A_437 = arith.extui %sign3A_436 : i1 to i32
      %sign3A_438 = arith.subi %sign3A_434, %sign3A_437 : i32
      %ne3A_439 = arith.cmpi ne, %sign3A_431, %sign3A_438 : i32
      %rem3A_440 = arith.remsi %add3A_287, %jit3A_423 : i32
      %ne3A_441 = arith.constant 0 : i32
      %ne3A_442 = arith.cmpi ne, %rem3A_440, %ne3A_441 : i32
      %and3A_443 = arith.andi %ne3A_439, %ne3A_442 : i1
      %sub3A_444 = arith.constant 1 : i32
      %sub3A_445 = arith.subi %div3A_424, %sub3A_444 : i32
      %select_n3A_446 = arith.select %and3A_443, %sub3A_445, %div3A_424 : i32
      %jit3A_447 = arith.constant 2 : i32
      %eq3A_448 = arith.constant 0 : i32
      %eq3A_449 = arith.cmpi eq, %jit3A_447, %eq3A_448 : i32
      %jit3A_450 = arith.constant 1 : i32
      %select_n3A_451 = arith.select %eq3A_449, %jit3A_450, %jit3A_447 : i32
      %rem3A_452 = arith.remsi %add3A_287, %select_n3A_451 : i32
      %ne3A_453 = arith.constant 0 : i32
      %ne3A_454 = arith.cmpi ne, %rem3A_452, %ne3A_453 : i32
      %lt3A_455 = arith.constant 0 : i32
      %lt3A_456 = arith.cmpi slt, %rem3A_452, %lt3A_455 : i32
      %lt3A_457 = arith.constant 0 : i32
      %lt3A_458 = arith.cmpi slt, %select_n3A_451, %lt3A_457 : i32
      %ne3A_459 = arith.xori %lt3A_456, %lt3A_458 : i1
      %and3A_460 = arith.andi %ne3A_459, %ne3A_454 : i1
      %add3A_461 = arith.addi %rem3A_452, %select_n3A_451 : i32
      %select_n3A_462 = arith.select %and3A_460, %add3A_461, %rem3A_452 : i32
      %mul3A_463 = arith.constant 64 : i32
      %mul3A_464 = arith.muli %select_n3A_462, %mul3A_463 : i32
      %add3A_465 = arith.constant 32 : i32
      %add3A_466 = arith.addi %mul3A_464, %add3A_465 : i32
      %swap3A_467 = arith.index_cast %select_n3A_446 : i32 to index
      %swap3A_468 = arith.index_cast %add3A_466 : i32 to index
      %swap3A_469 = tpu.vector_load %arg7[%swap3A_467, %swap3A_468] {strides = array<i32>} : memref<64x128xf32, #tpu.memory_space<vmem>>, vector<1x16xf32>,
      %swap3A_470 = vector.shape_cast %swap3A_469 : vector<1x16xf32> to vector<16xf32>
      %swap3A_471 = vector.shape_cast %mul3A_422 : vector<16xf32> to vector<1x16xf32>
      tpu.vector_store %arg7[%swap3A_467, %swap3A_468], %swap3A_471 {strides = array<i32>} : memref<64x128xf32, #tpu.memory_space<vmem>>, vector<1x16xf32>,
      %mul3A_472 = arith.constant 5.000000e-03 : f32
      %mul3A_473 = vector.broadcast %mul3A_472 : f32 to vector<16xf32>
      %mul3A_474 = arith.mulf %scan3A_314#3, %mul3A_473 : vector<16xf32>
      %jit3A_475 = arith.constant 2 : i32
      %div3A_476 = arith.divsi %add3A_287, %jit3A_475 : i32
      %sign3A_477 = arith.constant 0 : i32
      %sign3A_478 = arith.cmpi sgt, %add3A_287, %sign3A_477 : i32
      %sign3A_479 = arith.extui %sign3A_478 : i1 to i32
      %sign3A_480 = arith.constant 0 : i32
      %sign3A_481 = arith.cmpi slt, %add3A_287, %sign3A_480 : i32
      %sign3A_482 = arith.extui %sign3A_481 : i1 to i32
      %sign3A_483 = arith.subi %sign3A_479, %sign3A_482 : i32
      %sign3A_484 = arith.constant 0 : i32
      %sign3A_485 = arith.cmpi sgt, %jit3A_475, %sign3A_484 : i32
      %sign3A_486 = arith.extui %sign3A_485 : i1 to i32
      %sign3A_487 = arith.constant 0 : i32
      %sign3A_488 = arith.cmpi slt, %jit3A_475, %sign3A_487 : i32
      %sign3A_489 = arith.extui %sign3A_488 : i1 to i32
      %sign3A_490 = arith.subi %sign3A_486, %sign3A_489 : i32
      %ne3A_491 = arith.cmpi ne, %sign3A_483, %sign3A_490 : i32
      %rem3A_492 = arith.remsi %add3A_287, %jit3A_475 : i32
      %ne3A_493 = arith.constant 0 : i32
      %ne3A_494 = arith.cmpi ne, %rem3A_492, %ne3A_493 : i32
      %and3A_495 = arith.andi %ne3A_491, %ne3A_494 : i1
      %sub3A_496 = arith.constant 1 : i32
      %sub3A_497 = arith.subi %div3A_476, %sub3A_496 : i32
      %select_n3A_498 = arith.select %and3A_495, %sub3A_497, %div3A_476 : i32
      %jit3A_499 = arith.constant 2 : i32
      %eq3A_500 = arith.constant 0 : i32
      %eq3A_501 = arith.cmpi eq, %jit3A_499, %eq3A_500 : i32
      %jit3A_502 = arith.constant 1 : i32
      %select_n3A_503 = arith.select %eq3A_501, %jit3A_502, %jit3A_499 : i32
      %rem3A_504 = arith.remsi %add3A_287, %select_n3A_503 : i32
      %ne3A_505 = arith.constant 0 : i32
      %ne3A_506 = arith.cmpi ne, %rem3A_504, %ne3A_505 : i32
      %lt3A_507 = arith.constant 0 : i32
      %lt3A_508 = arith.cmpi slt, %rem3A_504, %lt3A_507 : i32
      %lt3A_509 = arith.constant 0 : i32
      %lt3A_510 = arith.cmpi slt, %select_n3A_503, %lt3A_509 : i32
      %ne3A_511 = arith.xori %lt3A_508, %lt3A_510 : i1
      %and3A_512 = arith.andi %ne3A_511, %ne3A_506 : i1
      %add3A_513 = arith.addi %rem3A_504, %select_n3A_503 : i32
      %select_n3A_514 = arith.select %and3A_512, %add3A_513, %rem3A_504 : i32
      %mul3A_515 = arith.constant 64 : i32
      %mul3A_516 = arith.muli %select_n3A_514, %mul3A_515 : i32
      %add3A_517 = arith.constant 48 : i32
      %add3A_518 = arith.addi %mul3A_516, %add3A_517 : i32
      %swap3A_519 = arith.index_cast %select_n3A_498 : i32 to index
      %swap3A_520 = arith.index_cast %add3A_518 : i32 to index
      %swap3A_521 = tpu.vector_load %arg7[%swap3A_519, %swap3A_520] {strides = array<i32>} : memref<64x128xf32, #tpu.memory_space<vmem>>, vector<1x16xf32>,
      %swap3A_522 = vector.shape_cast %swap3A_521 : vector<1x16xf32> to vector<16xf32>
      %swap3A_523 = vector.shape_cast %mul3A_474 : vector<16xf32> to vector<1x16xf32>
      tpu.vector_store %arg7[%swap3A_519, %swap3A_520], %swap3A_523 {strides = array<i32>} : memref<64x128xf32, #tpu.memory_space<vmem>>, vector<1x16xf32>,
      %add3A_524 = arith.constant 2 : i32
      %add3A_525 = arith.addi %add3A_287, %add3A_524 : i32
      %lt3A_526 = arith.constant 128 : i32
      %lt3A_527 = arith.cmpi slt, %add3A_525, %lt3A_526 : i32
      %convert_element_type3A_528 = arith.extui %lt3A_527 : i1 to i32
      %cond3A_529 = arith.constant 0 : i32
      %cond3A_530 = arith.cmpi ne, %convert_element_type3A_528, %cond3A_529 : i32
      scf.if %cond3A_530 {
        %mul3A_531 = arith.constant 200 : i32
        %mul3A_532 = arith.muli %add3A_525, %mul3A_531 : i32
        %add3A_533 = arith.constant 0 : i32
        %add3A_534 = arith.addi %mul3A_532, %add3A_533 : i32
        %dma_start3A_535 = arith.constant 1 : i32
        %dma_start3A_536 = arith.constant 0 : i32
        %dma_start3A_537 = arith.constant 0 : i32
        %dma_start3A_538 = tpu.memref_slice %arg6[%dma_start3A_535, %dma_start3A_536, %dma_start3A_537] : memref<2x200x128xf32, #tpu.memory_space<vmem>> -> memref<1x128x128xf32, #tpu.memory_space<vmem>>
        %dma_start3A_539 = tpu.memref_squeeze %dma_start3A_538 : memref<1x128x128xf32, #tpu.memory_space<vmem>> -> memref<128x128xf32, #tpu.memory_space<vmem>>
        %dma_start3A_540 = tpu.memref_slice %arg5[%add3A_534] : memref<25600xi32, #tpu.memory_space<vmem>> -> memref<128xi32, #tpu.memory_space<vmem>>
        %dma_start3A_541 = arith.constant 0 : i32
        %dma_start3A_542 = arith.constant 0 : i32
        %dma_start3A_543 = tpu.memref_slice %arg3[%dma_start3A_541, %dma_start3A_542] : memref<1000000x128xf32, #tpu.memory_space<hbm>> -> memref<1000000x128xf32, #tpu.memory_space<hbm>>
        tpu.enqueue_indirect_dma source(%dma_start3A_543 : memref<1000000x128xf32, #tpu.memory_space<hbm>>) target(%dma_start3A_539 : memref<128x128xf32, #tpu.memory_space<vmem>>) offsets(%dma_start3A_540 : memref<128xi32, #tpu.memory_space<vmem>>) semaphore(%arg9 : memref<!tpu.dma_semaphore, #tpu.memory_space<semaphore_mem>>)
        %mul3A_544 = arith.constant 200 : i32
        %mul3A_545 = arith.muli %add3A_525, %mul3A_544 : i32
        %add3A_546 = arith.constant 128 : i32
        %add3A_547 = arith.addi %mul3A_545, %add3A_546 : i32
        %dma_start3A_548 = arith.constant 1 : i32
        %dma_start3A_549 = arith.constant 128 : i32
        %dma_start3A_550 = arith.constant 0 : i32
        %dma_start3A_551 = tpu.memref_slice %arg6[%dma_start3A_548, %dma_start3A_549, %dma_start3A_550] : memref<2x200x128xf32, #tpu.memory_space<vmem>> -> memref<1x72x128xf32, #tpu.memory_space<vmem>>
        %dma_start3A_552 = tpu.memref_squeeze %dma_start3A_551 : memref<1x72x128xf32, #tpu.memory_space<vmem>> -> memref<72x128xf32, #tpu.memory_space<vmem>>
        %dma_start3A_553 = tpu.memref_slice %arg5[%add3A_547] : memref<25600xi32, #tpu.memory_space<vmem>> -> memref<72xi32, #tpu.memory_space<vmem>>
        %dma_start3A_554 = arith.constant 0 : i32
        %dma_start3A_555 = arith.constant 0 : i32
        %dma_start3A_556 = tpu.memref_slice %arg3[%dma_start3A_554, %dma_start3A_555] : memref<1000000x128xf32, #tpu.memory_space<hbm>> -> memref<1000000x128xf32, #tpu.memory_space<hbm>>
        tpu.enqueue_indirect_dma source(%dma_start3A_556 : memref<1000000x128xf32, #tpu.memory_space<hbm>>) target(%dma_start3A_552 : memref<72x128xf32, #tpu.memory_space<vmem>>) offsets(%dma_start3A_553 : memref<72xi32, #tpu.memory_space<vmem>>) semaphore(%arg9 : memref<!tpu.dma_semaphore, #tpu.memory_space<semaphore_mem>>)
      } else {
      }
    }
    %scan3A_48 = arith.constant 64 : i32
    %mul3A_49 = arith.constant 64 : i32
    %mul3A_50 = arith.muli %add3A, %mul3A_49 : i32
    "tpu.region"() ({
      %run_scoped3A = tpu.sem_alloc : memref<!tpu.dma_semaphore, #tpu.memory_space<semaphore_mem>>
      %dma_start3A_51 = arith.constant 0 : i32
      %dma_start3A_52 = tpu.memref_slice %arg4[%mul3A_50, %dma_start3A_51] : memref<2048x128xf32, #tpu.memory_space<hbm>> -> memref<64x128xf32, #tpu.memory_space<hbm>>
      %dma_start3A_53 = arith.constant 0 : i32
      %dma_start3A_54 = tpu.memref_slice %arg4[%mul3A_50, %dma_start3A_53] : memref<2048x128xf32, #tpu.memory_space<hbm>> -> memref<64x128xf32, #tpu.memory_space<hbm>>
      tpu.enqueue_dma source(%arg7 : memref<64x128xf32, #tpu.memory_space<vmem>>) target(%dma_start3A_54 : memref<64x128xf32, #tpu.memory_space<hbm>>) target_semaphore(%run_scoped3A : memref<!tpu.dma_semaphore, #tpu.memory_space<semaphore_mem>>)
      %dma_wait3A = arith.constant 0 : i32
      %dma_wait3A_55 = tpu.memref_slice %arg4[%mul3A_50, %dma_wait3A] : memref<2048x128xf32, #tpu.memory_space<hbm>> -> memref<64x128xf32, #tpu.memory_space<hbm>>
      %dma_wait3A_56 = arith.constant 0 : i32
      %dma_wait3A_57 = tpu.memref_slice %arg4[%mul3A_50, %dma_wait3A_56] : memref<2048x128xf32, #tpu.memory_space<hbm>> -> memref<64x128xf32, #tpu.memory_space<hbm>>
      tpu.wait_dma2 semaphore(%run_scoped3A : memref<!tpu.dma_semaphore, #tpu.memory_space<semaphore_mem>>) src(%arg7 : memref<64x128xf32, #tpu.memory_space<vmem>>) dst(%dma_wait3A_57 : memref<64x128xf32, #tpu.memory_space<hbm>>)
      tpu.yield
    }) : () -> ()
    return
  }
}

module attributes {stable_mosaic.version = 14 : i64} {
  func.func @_repack_body(%arg0: i32, %arg1: memref<64x8192xf32, #tpu.memory_space<vmem>>, %arg2: memref<8192x128xf32, #tpu.memory_space<vmem>>) attributes {dimension_semantics = [#tpu.dimension_semantics<arbitrary>], iteration_bounds = array<i64: 123>, scalar_prefetch = 0 : i64, scratch_operands = 0 : i64, tpu.core_type = #tpu.core_type<tc>, window_params = [{transform_indices = @transform_0, window_bounds = array<i64: 64, 8192>}, {transform_indices = @transform_1, window_bounds = array<i64: 8192, 128>}]} {
    %iota3A = tpu.iota {dimensions = array<i32: 0>} : vector<64x64xi32>
    %iota3A_0 = tpu.iota {dimensions = array<i32: 1>} : vector<64x64xi32>
    %eq3A = arith.cmpi eq, %iota3A, %iota3A_0 : vector<64x64xi32>
    %convert_element_type3A = arith.extui %eq3A : vector<64x64xi1> to vector<64x64xi32>
    %convert_element_type3A_1 = arith.sitofp %convert_element_type3A : vector<64x64xi32> to vector<64x64xf32>
    %get3A = arith.constant 0 : index
    %get3A_2 = arith.constant 0 : index
    %get3A_3 = vector.load %arg1[%get3A, %get3A_2] : memref<64x8192xf32, #tpu.memory_space<vmem>>, vector<64x8192xf32>
    %dot_general3A = arith.constant dense<0.000000e+00> : vector<8192x64xf32>
    %dot_general3A_4 = tpu.matmul %get3A_3, %convert_element_type3A_1, %dot_general3A {dimension_numbers = #tpu.dot_dimension_numbers<[0], [0], [1], [1], [0, 1, 1, 1], [], []>, transpose_lhs_hint = false} : vector<64x8192xf32>, vector<64x64xf32>, vector<8192x64xf32> -> vector<8192x64xf32>
    %broadcast_in_dim3A = arith.constant 0.000000e+00 : f32
    %broadcast_in_dim3A_5 = vector.broadcast %broadcast_in_dim3A : f32 to vector<8192x64xf32>
    %concatenate3A = tpu.concatenate %dot_general3A_4, %broadcast_in_dim3A_5 in 1 : vector<8192x64xf32>, vector<8192x64xf32> -> vector<8192x128xf32>
    %swap3A = arith.constant 0 : index
    %swap3A_6 = arith.constant 0 : index
    %swap3A_7 = vector.load %arg2[%swap3A, %swap3A_6] : memref<8192x128xf32, #tpu.memory_space<vmem>>, vector<8192x128xf32>
    tpu.vector_store %arg2[%swap3A, %swap3A_6], %concatenate3A {strides = array<i32>} : memref<8192x128xf32, #tpu.memory_space<vmem>>, vector<8192x128xf32>,
    return
  }
  func.func @transform_0(%arg0: i32) -> (i32, i32) {
    %c0_i32 = arith.constant 0 : i32
    %c0_i32_0 = arith.constant 0 : i32
    return %c0_i32, %arg0 : i32, i32
  }
  func.func @transform_1(%arg0: i32) -> (i32, i32) {
    %c0_i32 = arith.constant 0 : i32
    %c0_i32_0 = arith.constant 0 : i32
    return %arg0, %c0_i32 : i32, i32
  }
}

</mosaic_0001>

<sc_bundles>
// kernel: _run.4.cloned.1.call-start
scs
__scs_entry_jumppad:
0x0: {  	(pc) =	sbr.rel $0x88, $3  }
0x1: {  	(tag) =	ssettag $0x0;
	lr =	simm.s32 $0x1  }
0x2: {  	[smem:$0x3F9F] =	sst lr;
	_ =	strace $0xD0000000  }
0x3: {  	_ = 	snop  }
0x4: {  	_ = 	snop  }
0x5: {  	_ = 	snop  }
0x6: {  	_ = 	snop  }
0x7: {  	_ = 	snop  }
__scs_overlays_trampoline_lowered:
0x8: {  	[smem:$0x3FAE] =	sst s0  }
0x9: {  	[smem:$0x3FAF] =	sst s1  }
0xa: {  	[smem:$0x3FB0] =	sst s2  }
0xb: {  	[smem:$0x3FB1] =	sst s3  }
0xc: {  	[smem:$0x3FB2] =	sst s4  }
0xd: {  	[smem:$0x3FB3] =	sst s5  }
0xe: {  	[smem:$0x3FB4] =	sst s6  }
0xf: {  	[smem:$0x3FB5] =	sst s7  }
0x10: {  	[smem:$0x3FB6] =	sst s8  }
0x11: {  	[smem:$0x3FB7] =	sst s9;
	s0 =	simm.s32 @!p0 $0x0  }
0x12: {  	s1 =	sld [smem:$0x3F9D];
	s0 =	simm.s32 @p0 $0x1  }
0x13: {  	[smem:$0x3FB8] =	sst s0;
	s0 =	simm.s32 @!p1 $0x0  }
0x14: {  	s2 =	sld [smem:$0x3F9C];
	s0 =	simm.s32 @p1 $0x1  }
0x15: {  	[smem:$0x3FB9] =	sst s0;
	s0 =	simm.s32 @!p2 $0x0  }
0x16: {  	s3 =	sld [smem:$0x3FDB];
	s0 =	simm.s32 @p2 $0x1  }
0x17: {  	s4 =	simm.s32 $0x1BF5;
	[smem:$0x3FBB] =	sst s0  }
0x18: {  	s0 =	sld [smem:$0x3F9E];
	_ =	swait.ge [sflag:s4], $0x0  }
0x19: {  	s7 =	sld [smem:$0x3F9F]  }
0x1a: {  	s8 =	sadd.s32 $0xFFFFE003, lr  }
0x1b: {  	s9 =	sadd.s32 $0xFFFFFEF7, lr;
	s5 =	simm.s32 $0xFFFFFFFF;
	p2 =	slt.u32 s8, $0xFFFFF086  }
0x1c: {  	p1 =	slt.u32 s9, $0xF7A;
	s5 =	simm.s32 @!p2 $0x0  }
0x1d: {  	s5 =	simm.s32 @p1 $0x1;
	p0 =	seq.s32 s7, s2  }
0x1e: {  	s7 =	smul.u32 @!p0 $0xF7A, s2;
	p2 =	seq.s32 @!p0 s5, $0x0  }
0x1f: {  	s9 =	smul.u32 $0xF7A, s1;
	s8 =	simm.s32 @!p0 $0x1BF5;
	p2 =	por !p2, p0  }
0x20: {  	[sflag:s8] =	ssyncset.s32 @!p0 $0xFFFFF086;
	s6 =	sadd.s32 @!p0 s3, s7;
	s7 =	simm.s32 @!p0 $0x108  }
0x21: {  	s3 =	sadd.s32 s3, s9;
	s6 =	sadd.s32 @!p0 $0x88, s6;
	s7 =	simm.s32 @p2 $0x1082  }
0x22: {  	[simem:s7], [sflag:s8] =	dma.local @!p0 [hbm:s6], $0xF7A  }
0x23: {  	s9 =	sor.u32 $0xD0000000, s2;
	s6 =	simm.s32 $0x108;
	_ =	swait.ge @!p0 [sflag:s8], $0x0  }
0x24: {  	s3 =	sadd.s32 $0x88, s3;
	s6 =	simm.s32 @!p1 $0x1082;
	[sflag:s4] =	ssyncset.s32 $0xFFFFF086  }
0x25: {  	[simem:s6], [sflag:s4] =	dma.local [hbm:s3], $0xF7A  }
0x26: {  	[smem:$0x3F9F] =	sst s1;
	(tag) =	ssettag s2;
	_ =	strace s9  }
0x27: {  	s1 =	sld [smem:$0x3FAF]  }
0x28: {  	s2 =	sld [smem:$0x3FB0]  }
0x29: {  	s4 =	sld [smem:$0x3FB2]  }
0x2a: {  	p0 =	seq.s32 s5, $0x0;
	s5 =	sld [smem:$0x3FB3]  }
0x2b: {  	s6 =	sld [smem:$0x3FB4]  }
0x2c: {  	s7 =	sld [smem:$0x3FB5]  }
0x2d: {  	s3 =	simm.s32 $0x108;
	s8 =	sld [smem:$0x3FB6]  }
0x2e: {  	s3 =	simm.s32 @!p0 $0x1082;
	s9 =	sld [smem:$0x3FB7]  }
0x2f: {  	lr =	sadd.s32 s0, s3;
	s0 =	sld [smem:$0x3FAE]  }
0x30: {  	s3 =	sld [smem:$0x3FB1]  }
0x31: {  	[smem:$0x3FBA] =	sst s10  }
0x32: {  	s10 =	sld [smem:$0x3FB8];
	_ =	sdelay $0x3  }
0x33: {  	p0 =	seq.s32 s10, $0x1;
	s10 =	sld [smem:$0x3FBA];
	_ =	sdelay $0x3  }
0x34: {  	[smem:$0x3FBA] =	sst s10  }
0x35: {  	s10 =	sld [smem:$0x3FB9];
	_ =	sdelay $0x3  }
0x36: {  	p1 =	seq.s32 s10, $0x1;
	s10 =	sld [smem:$0x3FBA];
	_ =	sdelay $0x3  }
0x37: {  	[smem:$0x3FBA] =	sst s10  }
0x38: {  	s10 =	sld [smem:$0x3FBB]  }
0x39: {  	_ = 	snop;
	(pc) =	sbr.ind lr, $3  }
0x3a: {  	_ = 	snop  }
0x3b: {  	_ = 	snop  }
0x3c: {  	p2 =	seq.s32 s10, $0x1;
	s10 =	sld [smem:$0x3FBA]  }
0x3d: {  	_ =	shalt  }
0x3e: {  	_ =	shalt  }
0x3f: {  	_ =	shalt  }
0x40: {  	_ =	shalt  }
0x41: {  	_ =	shalt  }
0x42: {  	_ =	shalt  }
0x43: {  	_ =	shalt  }
0x44: {  	_ =	shalt  }
0x45: {  	_ =	shalt  }
0x46: {  	_ =	shalt  }
0x47: {  	_ =	shalt  }
0x48: {  	_ =	shalt  }
0x49: {  	_ =	shalt  }
0x4a: {  	_ =	shalt  }
0x4b: {  	_ =	shalt  }
0x4c: {  	_ =	shalt  }
0x4d: {  	_ =	shalt  }
0x4e: {  	_ =	shalt  }
0x4f: {  	_ =	shalt  }
0x50: {  	_ =	shalt  }
0x51: {  	_ =	shalt  }
0x52: {  	_ =	shalt  }
0x53: {  	_ =	shalt  }
0x54: {  	_ =	shalt  }
0x55: {  	_ =	shalt  }
0x56: {  	_ =	shalt  }
0x57: {  	_ =	shalt  }
0x58: {  	_ =	shalt  }
0x59: {  	_ =	shalt  }
0x5a: {  	_ =	shalt  }
0x5b: {  	_ =	shalt  }
0x5c: {  	_ =	shalt  }
0x5d: {  	_ =	shalt  }
0x5e: {  	_ =	shalt  }
0x5f: {  	_ =	shalt  }
0x60: {  	_ =	shalt  }
0x61: {  	_ =	shalt  }
0x62: {  	_ =	shalt  }
0x63: {  	_ =	shalt  }
0x64: {  	_ =	shalt  }
0x65: {  	_ =	shalt  }
0x66: {  	_ =	shalt  }
0x67: {  	_ =	shalt  }
0x68: {  	_ =	shalt  }
0x69: {  	_ =	shalt  }
0x6a: {  	_ =	shalt  }
0x6b: {  	_ =	shalt  }
0x6c: {  	_ =	shalt  }
0x6d: {  	_ =	shalt  }
0x6e: {  	_ =	shalt  }
0x6f: {  	_ =	shalt  }
0x70: {  	_ =	shalt  }
0x71: {  	_ =	shalt  }
0x72: {  	_ =	shalt  }
0x73: {  	_ =	shalt  }
0x74: {  	_ =	shalt  }
0x75: {  	_ =	shalt  }
0x76: {  	_ =	shalt  }
0x77: {  	_ =	shalt  }
0x78: {  	_ =	shalt  }
0x79: {  	_ =	shalt  }
0x7a: {  	_ =	shalt  }
0x7b: {  	_ =	shalt  }
0x7c: {  	_ =	shalt  }
0x7d: {  	_ =	shalt  }
0x7e: {  	_ =	shalt  }
0x7f: {  	_ =	shalt  }
0x80: {  	_ =	shalt  }
0x81: {  	_ =	shalt  }
0x82: {  	_ =	shalt  }
0x83: {  	_ =	shalt  }
0x84: {  	_ =	shalt  }
0x85: {  	_ =	shalt  }
0x86: {  	_ =	shalt  }
0x87: {  	_ =	shalt  }
.Lfunc_end0:
.L_simem_size_0:
called_computation_lowered:
.L_overlay_start_0:
0x88: {  	s2 =	sld [smem:$0x3FD9]  }
0x89: {  	s3 =	sld [smem:$0x3FFE];
	_ =	sdelay $0x1  }
0x8a: {  	s1 =	srdreg.scid  }
0x8b: {  	s0 =	sand.u32 $0x1, s1  }
0x8c: {  	s17 =	sshll.u32 s0, $0xA;
	s2 =	sadd.s32 s3, s2  }
0x8d: {  	s2 =	sadd.s32 s2, s17  }
0x8e: {  	[smem:$0x3FC6] =	sst s2  }
0x8f: {  	_ = 	snop  }
0x90: {  	s2 =	sld [smem:$0x3FD0];
	(tm) =	ssettm $0x1  }
0x91: {  	s18 =	sld [smem:$0x3FFB];
	_ =	sdelay $0x3  }
0x92: {  	_ =	strace s18  }
0x93: {  	s3 =	sld [smem:$0x3FFC];
	_ =	sdelay $0x3  }
0x94: {  	_ =	strace s3  }
0x95: {  	s3 =	sld [smem:$0x3FFD];
	_ =	sdelay $0x3  }
0x96: {  	_ =	strace s3  }
0x97: {  	_ =	strace $0x8FFFFFFF  }
0x98: {  	s19 =	sld [smem:$0x3FDB];
	_ =	sdelay $0x1  }
0x99: {  	s4 =	simm.s32 $_scs_section_size  }
0x9a: {  	s5 =	simm.s32 $_size__tile_overlayer_lowered;
	s6 =	simm.s32 $_tile_overlayer_lowered  }
0x9b: {  	s22 =	simm.s32 $0x1BFF;
	s21 =	sshll.u32 s6, $0x1;
	s3 =	sadd.s32 s4, s19  }
0x9c: {  	s7 =	simm.s32 $0x0;
	s20 =	sshll.u32 s5, $0x1;
	s5 =	sadd.s32 s21, s3  }
0x9d: {  	[timem:s7], [sflag:s22] =	dma.local [hbm:s5], s20  }
0x9e: {  	_ =	swait.ge [sflag:s22], s20  }
0x9f: {  	s4 =	ssub.s32 $0x0, s20;
	[sflag:s22] =	ssyncset.done $0x0  }
0xa0: {  	[sflag:s22] =	ssyncadd.s32 s4;
	_ =	sdelay $0x1  }
0xa1: {  	s23 =	simm.s32 $0x1B8B  }
0xa2: {  	_ =	swait.ge [sflag:s23], $0x1  }
0xa3: {  	[sflag:s23] =	ssyncset.done $0x0  }
0xa4: {  	s25 =	simm.s32 $0x1B8E;
	s24 =	sld [smem:$0x3FFE];
	[sflag:s23] =	ssyncadd.s32 $0xFFFFFFFF  }
0xa5: {  	s26 =	simm.s32 $execute0_lowered;
	[smem:$0x3FD2] =	sst s25  }
0xa6: {  	s5 =	sshll.u32 s26, $0x1;
	_ =	strace $0x80000046;
	[dreg:$0x1] =	wrdreg $0xFFFFFFFF  }
0xa7: {  	s28 =	simm.s32 $_size_execute0_lowered;
	s3 =	sadd.s32 s3, s5;
	[dreg:$0x0] =	wrdreg $0x0  }
0xa8: {  	s5 =	sshll.u32 s28, $0x1;
	[dreg:$0x2] =	wrdreg s3  }
0xa9: {  	[dreg:$0x3] =	wrdreg s5  }
0xaa: {  	[dreg:$0x4] =	wrdreg $0xC0  }
0xab: {  	_ =	task [dreg:s7], $0x5FFFF  }
0xac: {  	[dreg:$0x1] =	wrdreg $0xFFFFFFFF  }
0xad: {  	[dreg:$0x0] =	wrdreg $0x60  }
0xae: {  	[dreg:$0x2] =	wrdreg s24  }
0xaf: {  	[dreg:$0x3] =	wrdreg s2  }
0xb0: {  	[dreg:$0x4] =	wrdreg $0x9  }
0xb1: {  	_ =	task.clear_ibuf [dreg:s7], $0x5FFFF;
	_ =	strace $0x90000046  }
0xb2: {  	s29 =	simm.s32 $0x9;
	_ =	strace $0x80000048  }
0xb3: {  	_ =	swait.ge [sflag:s29], $0x1  }
0xb4: {  	[sflag:s29] =	ssyncadd.s32 $0xFFFFFFFF  }
0xb5: {  	_ =	strace $0x90000048  }
0xb6: {  	_ =	sfence  }
0xb7: {  	s30 =	sld [smem:$0x0];
	_ =	sdelay $0x2  }
0xb8: {  	s31 =	sshll.u32 s1, $0xD;
	s1 =	sshrl.u32 s1, $0x2  }
0xb9: {  	s3 =	sand.u32 $0x4000, s31;
	s1 =	sadd.s32 s1, s30  }
0xba: {  	s0 =	sor.u32 s3, s0;
	s1 =	sshll.u32 s1, $0x11  }
0xbb: {  	s0 =	sor.u32 s1, s0  }
0xbc: {  	s0 =	sadd.s32 $0x8F2B, s0  }
0xbd: {  	[sflag:s0] =	ssyncadd.remote.s32 $0x1  }
0xbe: {  	_ =	sfence.sel $0xFFFF  }
0xbf: {  	[dreg:$0x0] =	wrdreg $0xFFFFFFFF;
	(pc) =	sbr.abs _section_cstart, $3  }
0xc0: {  	[dreg:$0x1] =	wrdreg $0xFFFFFFFF  }
0xc1: {  	_ =	task.clear_ibuf [dreg:s7], $0x2FFFF;
	_ =	strace $0x9FFFFFFF  }
0xc2: {  	(tm) =	ssettm $0x7FFFFFFF  }
0xc3: {  	_ =	shalt  }
tec
execute0_lowered:
.L_overlay_start_1:
0x0: {  	(tag) =	ssettag $0x1  }
0x1: {  	s3 =	rddreg [dreg:$0x0];
	s1 =	srdreg.scid  }
0x2: {  	s0 =	stileid.u32;
	s5 =	rddreg [dreg:$0x1];
	s2 =	simm.s32 $0x0  }
0x3: {  	s9 =	simm.s32 $0x6400;
	s10 =	simm.s32 $0x48;
	s11 =	simm.s32 $0xA400  }
0x4: {  	s12 =	simm.s32 $0xC8;
	s13 =	simm.s32 $0xC800;
	s14 =	simm.s32 $0x148  }
0x5: {  	s15 =	simm.s32 $0x10800;
	s16 =	simm.s32 $0x1;
	s17 =	simm.s32 $0x2  }
0x6: {  	s18 =	simm.s32 $0x12C00;
	s4 =	sand.u32 $0x1, s1;
	s1 =	rddreg [dreg:$0x2]  }
0x7: {  	s19 =	simm.s32 $0x0;
	s6 =	sshll.u32 s0, $0x1;
	[smem:$0x7FF] =	sst s2  }
.Ltmp0:
0x8: {  	s6 =	sor.u32 s4, s6;
	s4 =	ssub.s32 $0x2, s4;
	(pc) =	sbr.rel .LBB2_1-.Ltmp0, $4  }
0x9: {  	s7 =	smul.u32 $0xC80, s6;
	s8 =	sshrl.u32 s4, $0x1;
	s6 =	sshll.u32 s6, $0xA  }
0xa: {  	_ =	strace $0x80000047;
	s8 =	ssub.s32 s4, s8;
	s5 =	sadd.s32 s5, s6  }
0xb: {  	s7 =	sadd.s32 s7, s3;
	s3 =	sadd.s32 $0x19400, s3;
	s6 =	smax.u32 s8, $0x1  }
0xc: {  	s8 =	simm.s32 $0x80;
	s4 =	sadd.s32 $0x400, s7;
	s7 =	simm.s32 $0x3  }
.LBB2_8:
0xd: {  	s19 =	sadd.s32 $0x1, s19  }
0xe: {  	p0 =	sne.s32 s19, s6  }
.Ltmp1:
0xf: {  	_ = 	snop;
	(pc) =	sbr.rel @!p0 .LBB2_9-.Ltmp1, $4  }
0x10: {  	[hbm4b:s5+s2] =	stream.linear.scatter [tilespmem:s18], [sflag:$0x3], $0x2000, $0x38;
	[tilespmem:$0x14C00] =	vst v63  }
0x11: {  	_ =	swait.ge [sflag:s7], $0x2000  }
0x12: {  	[sflag:s7] =	ssyncset.done $0x0  }
0x13: {  	[sflag:s7] =	ssyncadd.s32 $0xFFFFE000  }
.LBB2_1:
0x14: {  	[tilespmem:s2], [sflag:$0x3] =	stream.linear.gather [hbm4b:s4+s2], $0x6400, $0x38;
	[tilespmem:$0x14C00] =	vst v63  }
0x15: {  	_ =	swait.ge [sflag:s7], $0x6400  }
0x16: {  	[sflag:s7] =	ssyncset.done $0x0  }
0x17: {  	[sflag:s7] =	ssyncadd.s32 $0xFFFF9C00  }
0x18: {  	[tilespmem:s9], [sflag:$0x1] =	stream.indirect.gather [hbm4b:s3+s8], $0x80, s2, s8, $0xb8;
	[tilespmem:$0x14C00] =	vst v63  }
0x19: {  	_ = 	snop  }
0x1a: {  	[tilespmem:s11], [sflag:$0x1] =	stream.indirect.gather [hbm4b:s3+s10], $0x80, s8, s10, $0xb8;
	[tilespmem:$0x14C00] =	vst v63  }
0x1b: {  	_ = 	snop  }
0x1c: {  	[tilespmem:s13], [sflag:$0x2] =	stream.indirect.gather [hbm4b:s3+s8], $0x80, s12, s8, $0xb8;
	[tilespmem:$0x14C00] =	vst v63  }
0x1d: {  	s20 =	simm.s32 $0x0  }
0x1e: {  	[tilespmem:s15], [sflag:$0x2] =	stream.indirect.gather [hbm4b:s3+s10], $0x80, s14, s10, $0xb8;
	[tilespmem:$0x14C00] =	vst v63  }
.LBB2_2:
0x1f: {  	_ =	swait.ge [sflag:s16], $0x4000  }
0x20: {  	[sflag:s16] =	ssyncset.done $0x0  }
0x21: {  	[sflag:s16] =	ssyncadd.s32 $0xFFFFC000  }
0x22: {  	_ =	swait.ge [sflag:s16], $0x2400  }
0x23: {  	[sflag:s16] =	ssyncset.done $0x0  }
0x24: {  	s22 =	simm.s32 $0x0;
	[sflag:s16] =	ssyncadd.s32 $0xFFFFDC00  }
0x25: {  	v1 =	vld [tilespmem:s22+$0x6430]  }
0x26: {  	v2 =	vld [tilespmem:s22+$0x6400]  }
0x27: {  	v0 =	vimm.f32 $0.0e+00;
	v3 =	vld [tilespmem:s22+$0x6410]  }
0x28: {  	s21 =	simm.s32 $0x200;
	v5 =	vimm.f32 $0.0e+00;
	v6 =	vimm.f32 $0.0e+00;
	v7 =	vimm.f32 $0.0e+00;
	v4 =	vld [tilespmem:s22+$0x6420]  }
.LBB2_3:
0x29: {  	p0 =	sne.s32 s21, $0x18E00  }
.Ltmp2:
0x2a: {  	s22 =	sshra.s32 s21, $0x2;
	s21 =	sadd.s32 $0x200, s21;
	v0 =	vadd.f32 v1, v0;
	(pc) =	sbr.rel @p0 .LBB2_3-.Ltmp2, $4  }
0x2b: {  	v1 =	vld [tilespmem:s22+$0x6430];
	v5 =	vadd.f32 v2, v5  }
0x2c: {  	v2 =	vld [tilespmem:s22+$0x6400];
	v6 =	vadd.f32 v3, v6  }
0x2d: {  	v3 =	vld [tilespmem:s22+$0x6410];
	v7 =	vadd.f32 v4, v7  }
0x2e: {  	v4 =	vld [tilespmem:s22+$0x6420]  }
0x2f: {  	_ = 	snop  }
0x30: {  	v0 =	vadd.f32 v1, v0  }
0x31: {  	v2 =	vadd.f32 v2, v5  }
0x32: {  	s21 =	sshll.u32 s20, $0x7;
	v3 =	vadd.f32 v3, v6;
	v0 =	vmul.f32 $4.999999890e-03, v0  }
0x33: {  	p0 =	seq.s32 s20, $0x3F;
	s21 =	sand.u32 $0x3FFFFF80, s21;
	v4 =	vadd.f32 v4, v7;
	v2 =	vmul.f32 $4.999999890e-03, v2  }
0x34: {  	s22 =	smul.u32 @!p0 $0x640, s20;
	v1 =	vmul.f32 $4.999999890e-03, v3;
	[tilespmem:s21+$0x12C30] =	vst v0  }
0x35: {  	[tilespmem:s21+$0x12C00] =	vst v2;
	v2 =	vmul.f32 $4.999999890e-03, v4  }
0x36: {  	s22 =	sshra.s32 @!p0 s22, $0x2;
	[tilespmem:s21+$0x12C10] =	vst v1  }
0x37: {  	s24 =	simm.s32 @!p0 $0x80;
	s25 =	simm.s32 @!p0 $0x6400;
	s23 =	sadd.s32 @!p0 $0x190, s22;
	[tilespmem:s21+$0x12C20] =	vst v2  }
0x38: {  	[tilespmem:s25], [sflag:$0x1] =	stream.indirect.gather @!p0 [hbm4b:s3+s24], $0x80, s23, s24, $0xb8;
	[tilespmem:$0x14C00] =	vst v63  }
0x39: {  	s22 =	sadd.s32 @!p0 $0x210, s22;
	s23 =	simm.s32 @!p0 $0x48;
	s24 =	simm.s32 @!p0 $0xA400  }
0x3a: {  	[tilespmem:s24], [sflag:$0x1] =	stream.indirect.gather @!p0 [hbm4b:s3+s23], $0x80, s22, s23, $0xb8;
	[tilespmem:$0x14C00] =	vst v63  }
0x3b: {  	_ =	swait.ge [sflag:s17], $0x4000  }
0x3c: {  	[sflag:s17] =	ssyncset.done $0x0  }
0x3d: {  	[sflag:s17] =	ssyncadd.s32 $0xFFFFC000  }
0x3e: {  	_ =	swait.ge [sflag:s17], $0x2400  }
0x3f: {  	[sflag:s17] =	ssyncset.done $0x0  }
0x40: {  	s31 =	simm.s32 $0xFFFF9C00;
	[sflag:s17] =	ssyncadd.s32 $0xFFFFDC00  }
0x41: {  	v1 =	vld [tilespmem:s31+$0x12C30]  }
0x42: {  	v2 =	vld [tilespmem:s31+$0x12C00]  }
0x43: {  	v5 =	vimm.f32 $0.0e+00;
	v3 =	vld [tilespmem:s31+$0x12C10]  }
0x44: {  	v6 =	vimm.f32 $0.0e+00;
	v7 =	vimm.f32 $0.0e+00;
	v0 =	vimm.f32 $0.0e+00;
	s22 =	simm.s32 $0xFFFE7200;
	v4 =	vld [tilespmem:s31+$0x12C20]  }
.LBB2_5:
0x45: {  	p1 =	sne.s32 s22, $0xFFFFFE00  }
.Ltmp3:
0x46: {  	s23 =	sshra.s32 s22, $0x2;
	s22 =	sadd.s32 $0x200, s22;
	v0 =	vadd.f32 v1, v0;
	(pc) =	sbr.rel @p1 .LBB2_5-.Ltmp3, $4  }
0x47: {  	v1 =	vld [tilespmem:s23+$0x12C30];
	v5 =	vadd.f32 v2, v5  }
0x48: {  	v2 =	vld [tilespmem:s23+$0x12C00];
	v6 =	vadd.f32 v3, v6  }
0x49: {  	v3 =	vld [tilespmem:s23+$0x12C10];
	v7 =	vadd.f32 v4, v7  }
0x4a: {  	v4 =	vld [tilespmem:s23+$0x12C20]  }
0x4b: {  	_ = 	snop  }
0x4c: {  	v0 =	vadd.f32 v1, v0  }
0x4d: {  	v2 =	vadd.f32 v2, v5  }
0x4e: {  	v3 =	vadd.f32 v3, v6;
	v0 =	vmul.f32 $4.999999890e-03, v0  }
.Ltmp4:
0x4f: {  	v4 =	vadd.f32 v4, v7;
	v2 =	vmul.f32 $4.999999890e-03, v2;
	(pc) =	sbr.rel @p0 .LBB2_8-.Ltmp4, $4  }
0x50: {  	v62 =	vmul.f32 $4.999999890e-03, v3;
	[tilespmem:s21+$0x12C70] =	vst v0  }
0x51: {  	[tilespmem:s21+$0x12C40] =	vst v2;
	v63 =	vmul.f32 $4.999999890e-03, v4  }
0x52: {  	[tilespmem:s21+$0x12C50] =	vst v62  }
0x53: {  	[tilespmem:s21+$0x12C60] =	vst v63  }
0x54: {  	s21 =	smul.u32 $0x640, s20;
	_ =	sdelay $0x1  }
.Ltmp5:
0x55: {  	s21 =	sshra.s32 s21, $0x2;
	(pc) =	sbr.rel .LBB2_2-.Ltmp5, $4  }
0x56: {  	s22 =	sadd.s32 $0x258, s21  }
0x57: {  	[tilespmem:s13], [sflag:$0x2] =	stream.indirect.gather [hbm4b:s3+s8], $0x80, s22, s8, $0xb8;
	[tilespmem:$0x14C00] =	vst v63  }
0x58: {  	s20 =	sadd.s32 $0x1, s20;
	s21 =	sadd.s32 $0x2D8, s21  }
0x59: {  	[tilespmem:s15], [sflag:$0x2] =	stream.indirect.gather [hbm4b:s3+s10], $0x80, s21, s10, $0xb8;
	[tilespmem:$0x14C00] =	vst v63  }
.LBB2_9:
0x5a: {  	_ =	sfence.sel $0x180000  }
0x5b: {  	[bflag:$0x0] =	sbarrier.arrive $0xFFFF  }
0x5c: {  	p0 =	sne.s32 s0, $0x0;
	_ =	strace $0x90000047  }
0x5d: {  	s0 =	sadd.s32 @!p0 $0x100000, s1;
	[bflag:$0x2] =	sbarrier.arrive $0xFFFF  }
0x5e: {  	[sflag:s0] =	ssyncadd.tile.s32 @!p0 $0x1;
	_ =	shalt  }
.Lfunc_end2:
_tile_overlayer_lowered:
.L_overlay_start_2:
0x5f: {  	(tag) =	ssettag $0x2  }
0x60: {  	s0 =	rddreg [dreg:$0x0];
	s2 =	stileid.u32  }
0x61: {  	s1 =	rddreg [dreg:$0x1];
	p0 =	sne.s32 s2, $0x0  }
0x62: {  	s3 =	rddreg [dreg:$0x2];
	[bflag:$0x3] =	sbarrier.arrive $0xFFFF;
	s2 =	simm.s32 @!p0 $0x1C03  }
0x63: {  	[timem:s3], [sflag:s2] =	dma.local @!p0 [hbm:s0], s1  }
0x64: {  	s0 =	simm.s32 @!p0 $0x3  }
0x65: {  	_ =	swait.ge @!p0 [sflag:s0], s1  }
0x66: {  	s1 =	ssub.s32 @!p0 $0x0, s1;
	[sflag:s0] =	ssyncset.done @!p0 $0x0  }
0x67: {  	[sflag:s0] =	ssyncadd.s32 @!p0 s1  }
0x68: {  	[bflag:$0x3] =	sbarrier.arrive $0xFFFF  }
0x69: {  	_ =	shalt  }

</sc_bundles>
